<compile_context>
chip_gen: v7x
topology: tpu7x:2x2x1
jax: 0.10.2.dev20260603
libtpu: 0.0.44.dev20260713+nightly
codegen_flags: <defaults>
</compile_context>

<pallas_src>
import functools

import jax
import jax.numpy as jnp
from jax import lax
from jax.experimental import pallas as pl
from jax.experimental.pallas import tpu as pltpu
from jax.experimental.pallas import tpu_sc as plsc

N = 10000
D = 128
NC = 2
NS = 16
NW = NC * NS
CHUNK = 128
N_R = 10112
STRIPE = N_R // NS
SPLIT_A = 3
SPLIT_B = 2


def _sc_degree(dst3, z128, ones128, m, na, nb):
    mesh = plsc.VectorSubcoreMesh(core_axis_name="c", subcore_axis_name="s")

    @functools.partial(
        pl.kernel,
        mesh=mesh,
        out_type=jax.ShapeDtypeStruct((NC, N_R, D), jnp.float32),
        scratch_types=[
            pltpu.VMEM((m, CHUNK), jnp.int32),
            pltpu.VMEM((CHUNK, D), jnp.float32),
            pltpu.VMEM_SHARED((N_R, D), jnp.float32),
        ],
    )
    def deg_k(dst_hbm, z128_hbm, ones_hbm, d_hbm, dst_v, ones_v, deg_s):
        c = lax.axis_index("c")
        s = lax.axis_index("s")
        wid = c * NS + s
        n_loc = jnp.where(c == 0, na, nb)
        pltpu.sync_copy(dst_hbm.at[wid], dst_v)
        pltpu.sync_copy(ones_hbm, ones_v)
        row0 = s * STRIPE
        pltpu.sync_copy(z128_hbm, deg_s.at[pl.ds(row0, STRIPE)])
        plsc.subcore_barrier()

        def body(j, carry):
            pltpu.sync_copy(ones_v, deg_s.at[dst_v.at[j]], add=True)
            return carry

        lax.fori_loop(0, n_loc, body, 0)
        plsc.subcore_barrier()
        pltpu.sync_copy(deg_s.at[pl.ds(row0, STRIPE)],
                        d_hbm.at[c].at[pl.ds(row0, STRIPE)])

    return deg_k(dst3, z128, ones128)


def _sc_aggregate(h, src3, dst3, z128, m, na, nb):
    mesh = plsc.VectorSubcoreMesh(core_axis_name="c", subcore_axis_name="s")

    @functools.partial(
        pl.kernel,
        mesh=mesh,
        out_type=jax.ShapeDtypeStruct((NC, N_R, D), jnp.float32),
        scratch_types=[
            pltpu.VMEM((m, CHUNK), jnp.int32),
            pltpu.VMEM((m, CHUNK), jnp.int32),
            pltpu.VMEM((CHUNK, D), jnp.float32),
            pltpu.VMEM_SHARED((N_R, D), jnp.float32),
        ],
    )
    def agg(h_hbm, src_hbm, dst_hbm, z128_hbm, p_hbm,
            src_v, dst_v, rows_v, acc_s):
        c = lax.axis_index("c")
        s = lax.axis_index("s")
        wid = c * NS + s
        n_loc = jnp.where(c == 0, na, nb)
        pltpu.sync_copy(src_hbm.at[wid], src_v)
        pltpu.sync_copy(dst_hbm.at[wid], dst_v)
        row0 = s * STRIPE
        pltpu.sync_copy(z128_hbm, acc_s.at[pl.ds(row0, STRIPE)])
        plsc.subcore_barrier()

        def body(j, carry):
            pltpu.sync_copy(h_hbm.at[src_v.at[j]], rows_v)
            pltpu.sync_copy(rows_v, acc_s.at[dst_v.at[j]], add=True)
            return carry

        lax.fori_loop(0, n_loc, body, 0)
        plsc.subcore_barrier()
        pltpu.sync_copy(acc_s.at[pl.ds(row0, STRIPE)],
                        p_hbm.at[c].at[pl.ds(row0, STRIPE)])

    return agg(h, src3, dst3, z128)


BLK = 400


def _tc_layer(p, d, h, Wl, bl, Wr, relu):
    nb = N // BLK

    def body(p_ref, d_ref, h_ref, wl_ref, bl_ref, wr_ref, o_ref):
        deg = d_ref[0, :, 0:1] + d_ref[1, :, 0:1]
        mean = (p_ref[0] + p_ref[1]) / jnp.maximum(deg, 1.0)
        out = (lax.dot_general(mean, wl_ref[...], (((1,), (1,)), ((), ())),
                               preferred_element_type=jnp.float32)
               + lax.dot_general(h_ref[...], wr_ref[...],
                                 (((1,), (1,)), ((), ())),
                                 preferred_element_type=jnp.float32)
               + bl_ref[...])
        if relu:
            out = jnp.maximum(out, 0.0)
        o_ref[...] = out

    return pl.pallas_call(
        body,
        grid=(nb,),
        in_specs=[
            pl.BlockSpec((NC, BLK, D), lambda i: (0, i, 0)),
            pl.BlockSpec((NC, BLK, D), lambda i: (0, i, 0)),
            pl.BlockSpec((BLK, D), lambda i: (i, 0)),
            pl.BlockSpec((D, D), lambda i: (0, 0)),
            pl.BlockSpec((1, D), lambda i: (0, 0)),
            pl.BlockSpec((D, D), lambda i: (0, 0)),
        ],
        out_specs=pl.BlockSpec((BLK, D), lambda i: (i, 0)),
        out_shape=jax.ShapeDtypeStruct((N, D), jnp.float32),
    )(p, d, h, Wl, bl, Wr)


def kernel(x, edge_index, Wl1, bl1, Wr1, Wl2, bl2, Wr2, Wl3, bl3, Wr3):
    src = edge_index[0]
    dst = edge_index[1]
    e = src.shape[0]
    n_chunks = -(-e // (NS * CHUNK))
    na = (n_chunks * SPLIT_A + SPLIT_A + SPLIT_B - 1) // (SPLIT_A + SPLIT_B)
    nb = n_chunks - na
    if nb < 1:
        nb = 1
    m = max(na, nb)
    e_pad = NS * CHUNK * (na + nb)
    pad = e_pad - e
    sinkv = jnp.full((pad,), N, jnp.int32)
    src_p = jnp.concatenate([src, jnp.zeros((pad,), jnp.int32)])
    dst_p = jnp.concatenate([dst, sinkv])

    def part(v):
        p0 = v[:NS * na * CHUNK].reshape(NS, na, CHUNK)
        p1 = v[NS * na * CHUNK:].reshape(NS, nb, CHUNK)
        f0 = jnp.concatenate(
            [p0, jnp.full((NS, m - na, CHUNK), N, jnp.int32)], axis=1)
        f1 = jnp.concatenate(
            [p1, jnp.full((NS, m - nb, CHUNK), N, jnp.int32)], axis=1)
        return jnp.concatenate([f0, f1], axis=0)

    src_p = part(jnp.where(jnp.arange(e_pad) < e, src_p, 0))
    dst_p = part(dst_p)
    z128 = jnp.zeros((STRIPE, D), jnp.float32)
    ones128 = jnp.ones((CHUNK, D), jnp.float32)

    dg = _sc_degree(dst_p, z128, ones128, m, na, nb)[:, :N]

    def layer(h, Wl, bl, Wr, relu):
        p = _sc_aggregate(h, src_p, dst_p, z128, m, na, nb)
        return _tc_layer(p[:, :N], dg, h, Wl, bl.reshape(1, D), Wr, relu)

    h = layer(x, Wl1, bl1, Wr1, True)
    h = layer(h, Wl2, bl2, Wr2, True)
    return layer(h, Wl3, bl3, Wr3, False)

# --- scband reference (transcript-rebuilt; emitter-appended) ---
"""Pipeline reference for scband-graph-sage-29781303231030 (READ-ONLY COPY).

The authoritative reference and input builder live on the scoring server;
editing this copy changes nothing except your own understanding.
"""

import jax, jax.numpy as jnp
import numpy as np

N = 10000
E = 320000
D_IN = 128
D_HID = 128
D_OUT = 128


def _init_linear(key, out_f, in_f, bias=True):
    k1, k2 = jax.random.split(key)
    bound = 1.0 / np.sqrt(in_f)
    W = jax.random.uniform(k1, (out_f, in_f), dtype=jnp.float32, minval=-bound, maxval=bound)
    if bias:
        b = jax.random.uniform(k2, (out_f,), dtype=jnp.float32, minval=-bound, maxval=bound)
        return W, b
    return W, None


def setup_inputs(seed: int = 0) -> dict:
    key = jax.random.key(seed)
    ks = jax.random.split(key, 8)
    x = jax.random.normal(ks[0], (N, D_IN), dtype=jnp.float32)
    edge_index = jax.random.randint(ks[1], (2, E), 0, N, dtype=jnp.int32)
    # SAGEConv params: lin_l (aggregated neighbors, with bias), lin_r (self/root, no bias)
    Wl1, bl1 = _init_linear(ks[2], D_HID, D_IN, bias=True)
    Wr1, _ = _init_linear(ks[3], D_HID, D_IN, bias=False)
    Wl2, bl2 = _init_linear(ks[4], D_HID, D_HID, bias=True)
    Wr2, _ = _init_linear(ks[5], D_HID, D_HID, bias=False)
    Wl3, bl3 = _init_linear(ks[6], D_OUT, D_HID, bias=True)
    Wr3, _ = _init_linear(ks[7], D_OUT, D_HID, bias=False)
    return {"x": x, "edge_index": edge_index,
            "Wl1": Wl1, "bl1": bl1, "Wr1": Wr1,
            "Wl2": Wl2, "bl2": bl2, "Wr2": Wr2,
            "Wl3": Wl3, "bl3": bl3, "Wr3": Wr3}


def _sage_conv(x, edge_index, Wl, bl, Wr):
    # PyG SAGEConv with mean aggregation:
    # out = lin_l(mean_{j in N(i)} x_j) + lin_r(x_i)
    src = edge_index[0]
    dst = edge_index[1]
    msgs = jnp.take(x, src, axis=0)
    agg = jax.ops.segment_sum(msgs, dst, num_segments=x.shape[0])
    deg = jax.ops.segment_sum(jnp.ones((edge_index.shape[1],), dtype=x.dtype), dst, num_segments=x.shape[0])
    mean = agg / jnp.clip(deg, 1.0)[:, None]
    out = mean @ Wl.T + bl + x @ Wr.T
    return out


def reference(x, edge_index, Wl1, bl1, Wr1, Wl2, bl2, Wr2, Wl3, bl3, Wr3):
    # Eval mode: dropout is identity.
    h = _sage_conv(x, edge_index, Wl1, bl1, Wr1)
    h = jax.nn.relu(h)
    h = _sage_conv(h, edge_index, Wl2, bl2, Wr2)
    h = jax.nn.relu(h)
    out = _sage_conv(h, edge_index, Wl3, bl3, Wr3)
    return out

if __name__ == "__main__":
    import jax
    _d = setup_inputs()
    print(jax.jit(kernel)(*tuple(_d.values())))

</pallas_src>

<mosaic_0001>
#map = affine_map<(d0, d1) -> (0, 0)>
#map1 = affine_map<(d0, d1) -> (0, 0, 0)>
module attributes {stable_mosaic.version = 14 : i64} {
  func.func @agg(%arg0: i32, %arg1: i32, %arg2: memref<10000x128xf32, #tpu.memory_space<hbm>>, %arg3: memref<32x95x128xi32, #tpu.memory_space<hbm>>, %arg4: memref<32x95x128xi32, #tpu.memory_space<hbm>>, %arg5: memref<632x128xf32, #tpu.memory_space<hbm>>, %arg6: memref<2x10112x128xf32, #tpu.memory_space<hbm>>, %arg7: memref<95x128xi32, #tpu.memory_space<vmem>>, %arg8: memref<95x128xi32, #tpu.memory_space<vmem>>, %arg9: memref<128x128xf32, #tpu.memory_space<vmem>>, %arg10: memref<10112x128xf32, #tpu.memory_space<vmem_shared>>) attributes {dimension_semantics = [#tpu.dimension_semantics<core_parallel>, #tpu.dimension_semantics<subcore_parallel>], iteration_bounds = array<i64: 2, 16>, scalar_prefetch = 0 : i64, scratch_operands = 4 : i64, tpu.core_type = #tpu.core_type<sc_vector_subcore>, window_params = [{transform_indices = #map}, {transform_indices = #map1}, {transform_indices = #map1}, {transform_indices = #map}, {transform_indices = #map1}]} {
    %mul3A = arith.constant 16 : i32
    %mul3A_0 = arith.muli %arg0, %mul3A : i32
    %add3A = arith.addi %mul3A_0, %arg1 : i32
    %eq3A = arith.constant 0 : i32
    %eq3A_1 = arith.cmpi eq, %arg0, %eq3A : i32
    %jit3A = arith.constant 95 : i32
    %jit3A_2 = arith.constant 62 : i32
    %select_n3A = arith.select %eq3A_1, %jit3A, %jit3A_2 : i32
    "tpu.region"() ({
      %run_scoped3A = tpu.sem_alloc : memref<!tpu.dma_semaphore, #tpu.memory_space<semaphore_mem>>
      %dma_start3A = arith.constant 0 : i32
      %dma_start3A_15 = arith.constant 0 : i32
      %dma_start3A_16 = tpu.memref_slice %arg3[%add3A, %dma_start3A, %dma_start3A_15] : memref<32x95x128xi32, #tpu.memory_space<hbm>> -> memref<1x95x128xi32, #tpu.memory_space<hbm>>
      %dma_start3A_17 = tpu.memref_squeeze %dma_start3A_16 : memref<1x95x128xi32, #tpu.memory_space<hbm>> -> memref<95x128xi32, #tpu.memory_space<hbm>>
      %dma_start3A_18 = arith.constant 0 : i32
      %dma_start3A_19 = arith.constant 0 : i32
      %dma_start3A_20 = tpu.memref_slice %arg3[%add3A, %dma_start3A_18, %dma_start3A_19] : memref<32x95x128xi32, #tpu.memory_space<hbm>> -> memref<1x95x128xi32, #tpu.memory_space<hbm>>
      %dma_start3A_21 = tpu.memref_squeeze %dma_start3A_20 : memref<1x95x128xi32, #tpu.memory_space<hbm>> -> memref<95x128xi32, #tpu.memory_space<hbm>>
      tpu.enqueue_dma source(%dma_start3A_21 : memref<95x128xi32, #tpu.memory_space<hbm>>) target(%arg7 : memref<95x128xi32, #tpu.memory_space<vmem>>) target_semaphore(%run_scoped3A : memref<!tpu.dma_semaphore, #tpu.memory_space<semaphore_mem>>)
      %dma_wait3A = arith.constant 0 : i32
      %dma_wait3A_22 = arith.constant 0 : i32
      %dma_wait3A_23 = tpu.memref_slice %arg3[%add3A, %dma_wait3A, %dma_wait3A_22] : memref<32x95x128xi32, #tpu.memory_space<hbm>> -> memref<1x95x128xi32, #tpu.memory_space<hbm>>
      %dma_wait3A_24 = tpu.memref_squeeze %dma_wait3A_23 : memref<1x95x128xi32, #tpu.memory_space<hbm>> -> memref<95x128xi32, #tpu.memory_space<hbm>>
      %dma_wait3A_25 = arith.constant 0 : i32
      %dma_wait3A_26 = arith.constant 0 : i32
      %dma_wait3A_27 = tpu.memref_slice %arg3[%add3A, %dma_wait3A_25, %dma_wait3A_26] : memref<32x95x128xi32, #tpu.memory_space<hbm>> -> memref<1x95x128xi32, #tpu.memory_space<hbm>>
      %dma_wait3A_28 = tpu.memref_squeeze %dma_wait3A_27 : memref<1x95x128xi32, #tpu.memory_space<hbm>> -> memref<95x128xi32, #tpu.memory_space<hbm>>
      tpu.wait_dma2 semaphore(%run_scoped3A : memref<!tpu.dma_semaphore, #tpu.memory_space<semaphore_mem>>) src(%dma_wait3A_28 : memref<95x128xi32, #tpu.memory_space<hbm>>) dst(%arg7 : memref<95x128xi32, #tpu.memory_space<vmem>>)
      tpu.yield
    }) : () -> ()
    "tpu.region"() ({
      %run_scoped3A = tpu.sem_alloc : memref<!tpu.dma_semaphore, #tpu.memory_space<semaphore_mem>>
      %dma_start3A = arith.constant 0 : i32
      %dma_start3A_15 = arith.constant 0 : i32
      %dma_start3A_16 = tpu.memref_slice %arg4[%add3A, %dma_start3A, %dma_start3A_15] : memref<32x95x128xi32, #tpu.memory_space<hbm>> -> memref<1x95x128xi32, #tpu.memory_space<hbm>>
      %dma_start3A_17 = tpu.memref_squeeze %dma_start3A_16 : memref<1x95x128xi32, #tpu.memory_space<hbm>> -> memref<95x128xi32, #tpu.memory_space<hbm>>
      %dma_start3A_18 = arith.constant 0 : i32
      %dma_start3A_19 = arith.constant 0 : i32
      %dma_start3A_20 = tpu.memref_slice %arg4[%add3A, %dma_start3A_18, %dma_start3A_19] : memref<32x95x128xi32, #tpu.memory_space<hbm>> -> memref<1x95x128xi32, #tpu.memory_space<hbm>>
      %dma_start3A_21 = tpu.memref_squeeze %dma_start3A_20 : memref<1x95x128xi32, #tpu.memory_space<hbm>> -> memref<95x128xi32, #tpu.memory_space<hbm>>
      tpu.enqueue_dma source(%dma_start3A_21 : memref<95x128xi32, #tpu.memory_space<hbm>>) target(%arg8 : memref<95x128xi32, #tpu.memory_space<vmem>>) target_semaphore(%run_scoped3A : memref<!tpu.dma_semaphore, #tpu.memory_space<semaphore_mem>>)
      %dma_wait3A = arith.constant 0 : i32
      %dma_wait3A_22 = arith.constant 0 : i32
      %dma_wait3A_23 = tpu.memref_slice %arg4[%add3A, %dma_wait3A, %dma_wait3A_22] : memref<32x95x128xi32, #tpu.memory_space<hbm>> -> memref<1x95x128xi32, #tpu.memory_space<hbm>>
      %dma_wait3A_24 = tpu.memref_squeeze %dma_wait3A_23 : memref<1x95x128xi32, #tpu.memory_space<hbm>> -> memref<95x128xi32, #tpu.memory_space<hbm>>
      %dma_wait3A_25 = arith.constant 0 : i32
      %dma_wait3A_26 = arith.constant 0 : i32
      %dma_wait3A_27 = tpu.memref_slice %arg4[%add3A, %dma_wait3A_25, %dma_wait3A_26] : memref<32x95x128xi32, #tpu.memory_space<hbm>> -> memref<1x95x128xi32, #tpu.memory_space<hbm>>
      %dma_wait3A_28 = tpu.memref_squeeze %dma_wait3A_27 : memref<1x95x128xi32, #tpu.memory_space<hbm>> -> memref<95x128xi32, #tpu.memory_space<hbm>>
      tpu.wait_dma2 semaphore(%run_scoped3A : memref<!tpu.dma_semaphore, #tpu.memory_space<semaphore_mem>>) src(%dma_wait3A_28 : memref<95x128xi32, #tpu.memory_space<hbm>>) dst(%arg8 : memref<95x128xi32, #tpu.memory_space<vmem>>)
      tpu.yield
    }) : () -> ()
    %mul3A_3 = arith.constant 632 : i32
    %mul3A_4 = arith.muli %arg1, %mul3A_3 : i32
    "tpu.region"() ({
      %run_scoped3A = tpu.sem_alloc : memref<!tpu.dma_semaphore, #tpu.memory_space<semaphore_mem>>
      %dma_start3A = arith.constant 0 : i32
      %dma_start3A_15 = tpu.memref_slice %arg10[%mul3A_4, %dma_start3A] : memref<10112x128xf32, #tpu.memory_space<vmem_shared>> -> memref<632x128xf32, #tpu.memory_space<vmem_shared>>
      tpu.enqueue_dma source(%arg5 : memref<632x128xf32, #tpu.memory_space<hbm>>) target(%dma_start3A_15 : memref<632x128xf32, #tpu.memory_space<vmem_shared>>) target_semaphore(%run_scoped3A : memref<!tpu.dma_semaphore, #tpu.memory_space<semaphore_mem>>)
      %dma_wait3A = arith.constant 0 : i32
      %dma_wait3A_16 = tpu.memref_slice %arg10[%mul3A_4, %dma_wait3A] : memref<10112x128xf32, #tpu.memory_space<vmem_shared>> -> memref<632x128xf32, #tpu.memory_space<vmem_shared>>
      tpu.wait_dma2 semaphore(%run_scoped3A : memref<!tpu.dma_semaphore, #tpu.memory_space<semaphore_mem>>) src(%arg5 : memref<632x128xf32, #tpu.memory_space<hbm>>) dst(%dma_wait3A_16 : memref<632x128xf32, #tpu.memory_space<vmem_shared>>)
      tpu.yield
    }) : () -> ()
    %barrier3A = arith.constant 0 : index
    tpu.barrier barrier_id(%barrier3A)
    %while3A = arith.constant 0 : i32
    %while3A_5 = arith.constant 0 : i32
    %while3A_6 = arith.subi %select_n3A, %while3A_5 : i32
    %while3A_7 = arith.addi %while3A_5, %while3A_6 : i32
    %while3A_8 = arith.constant 1 : i32
    %while3A_9 = arith.divsi %while3A_6, %while3A_8 : i32
    %while3A_10 = arith.muli %while3A_9, %while3A_8 : i32
    %while3A_11 = arith.addi %while3A_5, %while3A_10 : i32
    %while3A_12 = arith.constant 1 : i32
    scf.for %while3A_15 = %while3A_5 to %while3A_11 step %while3A_12  : i32 {
      "tpu.region"() ({
        %run_scoped3A = tpu.sem_alloc : memref<!tpu.dma_semaphore, #tpu.memory_space<semaphore_mem>>
        %dma_start3A = arith.constant 0 : i32
        %dma_start3A_16 = tpu.memref_slice %arg7[%while3A_15, %dma_start3A] : memref<95x128xi32, #tpu.memory_space<vmem>> -> memref<1x128xi32, #tpu.memory_space<vmem>>
        %dma_start3A_17 = tpu.memref_squeeze %dma_start3A_16 : memref<1x128xi32, #tpu.memory_space<vmem>> -> memref<128xi32, #tpu.memory_space<vmem>>
        %dma_start3A_18 = arith.constant 0 : i32
        %dma_start3A_19 = arith.constant 0 : i32
        %dma_start3A_20 = tpu.memref_slice %arg2[%dma_start3A_18, %dma_start3A_19] : memref<10000x128xf32, #tpu.memory_space<hbm>> -> memref<10000x128xf32, #tpu.memory_space<hbm>>
        tpu.enqueue_indirect_dma source(%dma_start3A_20 : memref<10000x128xf32, #tpu.memory_space<hbm>>) target(%arg9 : memref<128x128xf32, #tpu.memory_space<vmem>>) offsets(%dma_start3A_17 : memref<128xi32, #tpu.memory_space<vmem>>) semaphore(%run_scoped3A : memref<!tpu.dma_semaphore, #tpu.memory_space<semaphore_mem>>)
        %dma_wait3A = arith.constant 0 : i32
        %dma_wait3A_21 = tpu.memref_slice %arg7[%while3A_15, %dma_wait3A] : memref<95x128xi32, #tpu.memory_space<vmem>> -> memref<1x128xi32, #tpu.memory_space<vmem>>
        %dma_wait3A_22 = tpu.memref_squeeze %dma_wait3A_21 : memref<1x128xi32, #tpu.memory_space<vmem>> -> memref<128xi32, #tpu.memory_space<vmem>>
        %dma_wait3A_23 = arith.constant 0 : i32
        %dma_wait3A_24 = arith.constant 0 : i32
        %dma_wait3A_25 = tpu.memref_slice %arg2[%dma_wait3A_23, %dma_wait3A_24] : memref<10000x128xf32, #tpu.memory_space<hbm>> -> memref<10000x128xf32, #tpu.memory_space<hbm>>
        tpu.wait_indirect_dma semaphore(%run_scoped3A : memref<!tpu.dma_semaphore, #tpu.memory_space<semaphore_mem>>) src(%dma_wait3A_25 : memref<10000x128xf32, #tpu.memory_space<hbm>>) dst(%arg9 : memref<128x128xf32, #tpu.memory_space<vmem>>)
        tpu.yield
      }) : () -> ()
      "tpu.region"() ({
        %run_scoped3A = tpu.sem_alloc : memref<!tpu.dma_semaphore, #tpu.memory_space<semaphore_mem>>
        %dma_start3A = arith.constant 0 : i32
        %dma_start3A_16 = tpu.memref_slice %arg8[%while3A_15, %dma_start3A] : memref<95x128xi32, #tpu.memory_space<vmem>> -> memref<1x128xi32, #tpu.memory_space<vmem>>
        %dma_start3A_17 = tpu.memref_squeeze %dma_start3A_16 : memref<1x128xi32, #tpu.memory_space<vmem>> -> memref<128xi32, #tpu.memory_space<vmem>>
        %dma_start3A_18 = arith.constant 0 : i32
        %dma_start3A_19 = arith.constant 0 : i32
        %dma_start3A_20 = tpu.memref_slice %arg10[%dma_start3A_18, %dma_start3A_19] : memref<10112x128xf32, #tpu.memory_space<vmem_shared>> -> memref<10112x128xf32, #tpu.memory_space<vmem_shared>>
        tpu.enqueue_indirect_dma source(%arg9 : memref<128x128xf32, #tpu.memory_space<vmem>>) target(%dma_start3A_20 : memref<10112x128xf32, #tpu.memory_space<vmem_shared>>) offsets(%dma_start3A_17 : memref<128xi32, #tpu.memory_space<vmem>>) semaphore(%run_scoped3A : memref<!tpu.dma_semaphore, #tpu.memory_space<semaphore_mem>>) {add = true}
        %dma_wait3A = arith.constant 0 : i32
        %dma_wait3A_21 = tpu.memref_slice %arg8[%while3A_15, %dma_wait3A] : memref<95x128xi32, #tpu.memory_space<vmem>> -> memref<1x128xi32, #tpu.memory_space<vmem>>
        %dma_wait3A_22 = tpu.memref_squeeze %dma_wait3A_21 : memref<1x128xi32, #tpu.memory_space<vmem>> -> memref<128xi32, #tpu.memory_space<vmem>>
        %dma_wait3A_23 = arith.constant 0 : i32
        %dma_wait3A_24 = arith.constant 0 : i32
        %dma_wait3A_25 = tpu.memref_slice %arg10[%dma_wait3A_23, %dma_wait3A_24] : memref<10112x128xf32, #tpu.memory_space<vmem_shared>> -> memref<10112x128xf32, #tpu.memory_space<vmem_shared>>
        tpu.wait_indirect_dma semaphore(%run_scoped3A : memref<!tpu.dma_semaphore, #tpu.memory_space<semaphore_mem>>) src(%arg9 : memref<128x128xf32, #tpu.memory_space<vmem>>) dst(%dma_wait3A_25 : memref<10112x128xf32, #tpu.memory_space<vmem_shared>>)
        tpu.yield
      }) : () -> ()
    }
    %while3A_13 = arith.constant 1 : i32
    scf.for %while3A_15 = %while3A_11 to %while3A_7 step %while3A_13  : i32 {
      "tpu.region"() ({
        %run_scoped3A = tpu.sem_alloc : memref<!tpu.dma_semaphore, #tpu.memory_space<semaphore_mem>>
        %dma_start3A = arith.constant 0 : i32
        %dma_start3A_16 = tpu.memref_slice %arg7[%while3A_15, %dma_start3A] : memref<95x128xi32, #tpu.memory_space<vmem>> -> memref<1x128xi32, #tpu.memory_space<vmem>>
        %dma_start3A_17 = tpu.memref_squeeze %dma_start3A_16 : memref<1x128xi32, #tpu.memory_space<vmem>> -> memref<128xi32, #tpu.memory_space<vmem>>
        %dma_start3A_18 = arith.constant 0 : i32
        %dma_start3A_19 = arith.constant 0 : i32
        %dma_start3A_20 = tpu.memref_slice %arg2[%dma_start3A_18, %dma_start3A_19] : memref<10000x128xf32, #tpu.memory_space<hbm>> -> memref<10000x128xf32, #tpu.memory_space<hbm>>
        tpu.enqueue_indirect_dma source(%dma_start3A_20 : memref<10000x128xf32, #tpu.memory_space<hbm>>) target(%arg9 : memref<128x128xf32, #tpu.memory_space<vmem>>) offsets(%dma_start3A_17 : memref<128xi32, #tpu.memory_space<vmem>>) semaphore(%run_scoped3A : memref<!tpu.dma_semaphore, #tpu.memory_space<semaphore_mem>>)
        %dma_wait3A = arith.constant 0 : i32
        %dma_wait3A_21 = tpu.memref_slice %arg7[%while3A_15, %dma_wait3A] : memref<95x128xi32, #tpu.memory_space<vmem>> -> memref<1x128xi32, #tpu.memory_space<vmem>>
        %dma_wait3A_22 = tpu.memref_squeeze %dma_wait3A_21 : memref<1x128xi32, #tpu.memory_space<vmem>> -> memref<128xi32, #tpu.memory_space<vmem>>
        %dma_wait3A_23 = arith.constant 0 : i32
        %dma_wait3A_24 = arith.constant 0 : i32
        %dma_wait3A_25 = tpu.memref_slice %arg2[%dma_wait3A_23, %dma_wait3A_24] : memref<10000x128xf32, #tpu.memory_space<hbm>> -> memref<10000x128xf32, #tpu.memory_space<hbm>>
        tpu.wait_indirect_dma semaphore(%run_scoped3A : memref<!tpu.dma_semaphore, #tpu.memory_space<semaphore_mem>>) src(%dma_wait3A_25 : memref<10000x128xf32, #tpu.memory_space<hbm>>) dst(%arg9 : memref<128x128xf32, #tpu.memory_space<vmem>>)
        tpu.yield
      }) : () -> ()
      "tpu.region"() ({
        %run_scoped3A = tpu.sem_alloc : memref<!tpu.dma_semaphore, #tpu.memory_space<semaphore_mem>>
        %dma_start3A = arith.constant 0 : i32
        %dma_start3A_16 = tpu.memref_slice %arg8[%while3A_15, %dma_start3A] : memref<95x128xi32, #tpu.memory_space<vmem>> -> memref<1x128xi32, #tpu.memory_space<vmem>>
        %dma_start3A_17 = tpu.memref_squeeze %dma_start3A_16 : memref<1x128xi32, #tpu.memory_space<vmem>> -> memref<128xi32, #tpu.memory_space<vmem>>
        %dma_start3A_18 = arith.constant 0 : i32
        %dma_start3A_19 = arith.constant 0 : i32
        %dma_start3A_20 = tpu.memref_slice %arg10[%dma_start3A_18, %dma_start3A_19] : memref<10112x128xf32, #tpu.memory_space<vmem_shared>> -> memref<10112x128xf32, #tpu.memory_space<vmem_shared>>
        tpu.enqueue_indirect_dma source(%arg9 : memref<128x128xf32, #tpu.memory_space<vmem>>) target(%dma_start3A_20 : memref<10112x128xf32, #tpu.memory_space<vmem_shared>>) offsets(%dma_start3A_17 : memref<128xi32, #tpu.memory_space<vmem>>) semaphore(%run_scoped3A : memref<!tpu.dma_semaphore, #tpu.memory_space<semaphore_mem>>) {add = true}
        %dma_wait3A = arith.constant 0 : i32
        %dma_wait3A_21 = tpu.memref_slice %arg8[%while3A_15, %dma_wait3A] : memref<95x128xi32, #tpu.memory_space<vmem>> -> memref<1x128xi32, #tpu.memory_space<vmem>>
        %dma_wait3A_22 = tpu.memref_squeeze %dma_wait3A_21 : memref<1x128xi32, #tpu.memory_space<vmem>> -> memref<128xi32, #tpu.memory_space<vmem>>
        %dma_wait3A_23 = arith.constant 0 : i32
        %dma_wait3A_24 = arith.constant 0 : i32
        %dma_wait3A_25 = tpu.memref_slice %arg10[%dma_wait3A_23, %dma_wait3A_24] : memref<10112x128xf32, #tpu.memory_space<vmem_shared>> -> memref<10112x128xf32, #tpu.memory_space<vmem_shared>>
        tpu.wait_indirect_dma semaphore(%run_scoped3A : memref<!tpu.dma_semaphore, #tpu.memory_space<semaphore_mem>>) src(%arg9 : memref<128x128xf32, #tpu.memory_space<vmem>>) dst(%dma_wait3A_25 : memref<10112x128xf32, #tpu.memory_space<vmem_shared>>)
        tpu.yield
      }) : () -> ()
    }
    %barrier3A_14 = arith.constant 0 : index
    tpu.barrier barrier_id(%barrier3A_14)
    "tpu.region"() ({
      %run_scoped3A = tpu.sem_alloc : memref<!tpu.dma_semaphore, #tpu.memory_space<semaphore_mem>>
      %dma_start3A = arith.constant 0 : i32
      %dma_start3A_15 = arith.constant 0 : i32
      %dma_start3A_16 = tpu.memref_slice %arg6[%arg0, %dma_start3A, %dma_start3A_15] : memref<2x10112x128xf32, #tpu.memory_space<hbm>> -> memref<1x10112x128xf32, #tpu.memory_space<hbm>>
      %dma_start3A_17 = tpu.memref_squeeze %dma_start3A_16 : memref<1x10112x128xf32, #tpu.memory_space<hbm>> -> memref<10112x128xf32, #tpu.memory_space<hbm>>
      %dma_start3A_18 = arith.constant 0 : i32
      %dma_start3A_19 = tpu.memref_slice %dma_start3A_17[%mul3A_4, %dma_start3A_18] : memref<10112x128xf32, #tpu.memory_space<hbm>> -> memref<632x128xf32, #tpu.memory_space<hbm>>
      %dma_start3A_20 = arith.constant 0 : i32
      %dma_start3A_21 = tpu.memref_slice %arg10[%mul3A_4, %dma_start3A_20] : memref<10112x128xf32, #tpu.memory_space<vmem_shared>> -> memref<632x128xf32, #tpu.memory_space<vmem_shared>>
      tpu.enqueue_dma source(%dma_start3A_21 : memref<632x128xf32, #tpu.memory_space<vmem_shared>>) target(%dma_start3A_19 : memref<632x128xf32, #tpu.memory_space<hbm>>) target_semaphore(%run_scoped3A : memref<!tpu.dma_semaphore, #tpu.memory_space<semaphore_mem>>)
      %dma_wait3A = arith.constant 0 : i32
      %dma_wait3A_22 = arith.constant 0 : i32
      %dma_wait3A_23 = tpu.memref_slice %arg6[%arg0, %dma_wait3A, %dma_wait3A_22] : memref<2x10112x128xf32, #tpu.memory_space<hbm>> -> memref<1x10112x128xf32, #tpu.memory_space<hbm>>
      %dma_wait3A_24 = tpu.memref_squeeze %dma_wait3A_23 : memref<1x10112x128xf32, #tpu.memory_space<hbm>> -> memref<10112x128xf32, #tpu.memory_space<hbm>>
      %dma_wait3A_25 = arith.constant 0 : i32
      %dma_wait3A_26 = tpu.memref_slice %dma_wait3A_24[%mul3A_4, %dma_wait3A_25] : memref<10112x128xf32, #tpu.memory_space<hbm>> -> memref<632x128xf32, #tpu.memory_space<hbm>>
      %dma_wait3A_27 = arith.constant 0 : i32
      %dma_wait3A_28 = tpu.memref_slice %arg10[%mul3A_4, %dma_wait3A_27] : memref<10112x128xf32, #tpu.memory_space<vmem_shared>> -> memref<632x128xf32, #tpu.memory_space<vmem_shared>>
      tpu.wait_dma2 semaphore(%run_scoped3A : memref<!tpu.dma_semaphore, #tpu.memory_space<semaphore_mem>>) src(%dma_wait3A_28 : memref<632x128xf32, #tpu.memory_space<vmem_shared>>) dst(%dma_wait3A_26 : memref<632x128xf32, #tpu.memory_space<hbm>>)
      tpu.yield
    }) : () -> ()
    return
  }
}

#map = affine_map<(d0, d1) -> (0, 0)>
#map1 = affine_map<(d0, d1) -> (0, 0, 0)>
module attributes {stable_mosaic.version = 14 : i64} {
  func.func @agg(%arg0: i32, %arg1: i32, %arg2: memref<10000x128xf32, #tpu.memory_space<hbm>>, %arg3: memref<32x95x128xi32, #tpu.memory_space<hbm>>, %arg4: memref<32x95x128xi32, #tpu.memory_space<hbm>>, %arg5: memref<632x128xf32, #tpu.memory_space<hbm>>, %arg6: memref<2x10112x128xf32, #tpu.memory_space<hbm>>, %arg7: memref<95x128xi32, #tpu.memory_space<vmem>>, %arg8: memref<95x128xi32, #tpu.memory_space<vmem>>, %arg9: memref<128x128xf32, #tpu.memory_space<vmem>>, %arg10: memref<10112x128xf32, #tpu.memory_space<vmem_shared>>) attributes {dimension_semantics = [#tpu.dimension_semantics<core_parallel>, #tpu.dimension_semantics<subcore_parallel>], iteration_bounds = array<i64: 2, 16>, scalar_prefetch = 0 : i64, scratch_operands = 4 : i64, tpu.core_type = #tpu.core_type<sc_vector_subcore>, window_params = [{transform_indices = #map}, {transform_indices = #map1}, {transform_indices = #map1}, {transform_indices = #map}, {transform_indices = #map1}]} {
    %mul3A = arith.constant 16 : i32
    %mul3A_0 = arith.muli %arg0, %mul3A : i32
    %add3A = arith.addi %mul3A_0, %arg1 : i32
    %eq3A = arith.constant 0 : i32
    %eq3A_1 = arith.cmpi eq, %arg0, %eq3A : i32
    %jit3A = arith.constant 95 : i32
    %jit3A_2 = arith.constant 62 : i32
    %select_n3A = arith.select %eq3A_1, %jit3A, %jit3A_2 : i32
    "tpu.region"() ({
      %run_scoped3A = tpu.sem_alloc : memref<!tpu.dma_semaphore, #tpu.memory_space<semaphore_mem>>
      %dma_start3A = arith.constant 0 : i32
      %dma_start3A_15 = arith.constant 0 : i32
      %dma_start3A_16 = tpu.memref_slice %arg3[%add3A, %dma_start3A, %dma_start3A_15] : memref<32x95x128xi32, #tpu.memory_space<hbm>> -> memref<1x95x128xi32, #tpu.memory_space<hbm>>
      %dma_start3A_17 = tpu.memref_squeeze %dma_start3A_16 : memref<1x95x128xi32, #tpu.memory_space<hbm>> -> memref<95x128xi32, #tpu.memory_space<hbm>>
      %dma_start3A_18 = arith.constant 0 : i32
      %dma_start3A_19 = arith.constant 0 : i32
      %dma_start3A_20 = tpu.memref_slice %arg3[%add3A, %dma_start3A_18, %dma_start3A_19] : memref<32x95x128xi32, #tpu.memory_space<hbm>> -> memref<1x95x128xi32, #tpu.memory_space<hbm>>
      %dma_start3A_21 = tpu.memref_squeeze %dma_start3A_20 : memref<1x95x128xi32, #tpu.memory_space<hbm>> -> memref<95x128xi32, #tpu.memory_space<hbm>>
      tpu.enqueue_dma source(%dma_start3A_21 : memref<95x128xi32, #tpu.memory_space<hbm>>) target(%arg7 : memref<95x128xi32, #tpu.memory_space<vmem>>) target_semaphore(%run_scoped3A : memref<!tpu.dma_semaphore, #tpu.memory_space<semaphore_mem>>)
      %dma_wait3A = arith.constant 0 : i32
      %dma_wait3A_22 = arith.constant 0 : i32
      %dma_wait3A_23 = tpu.memref_slice %arg3[%add3A, %dma_wait3A, %dma_wait3A_22] : memref<32x95x128xi32, #tpu.memory_space<hbm>> -> memref<1x95x128xi32, #tpu.memory_space<hbm>>
      %dma_wait3A_24 = tpu.memref_squeeze %dma_wait3A_23 : memref<1x95x128xi32, #tpu.memory_space<hbm>> -> memref<95x128xi32, #tpu.memory_space<hbm>>
      %dma_wait3A_25 = arith.constant 0 : i32
      %dma_wait3A_26 = arith.constant 0 : i32
      %dma_wait3A_27 = tpu.memref_slice %arg3[%add3A, %dma_wait3A_25, %dma_wait3A_26] : memref<32x95x128xi32, #tpu.memory_space<hbm>> -> memref<1x95x128xi32, #tpu.memory_space<hbm>>
      %dma_wait3A_28 = tpu.memref_squeeze %dma_wait3A_27 : memref<1x95x128xi32, #tpu.memory_space<hbm>> -> memref<95x128xi32, #tpu.memory_space<hbm>>
      tpu.wait_dma2 semaphore(%run_scoped3A : memref<!tpu.dma_semaphore, #tpu.memory_space<semaphore_mem>>) src(%dma_wait3A_28 : memref<95x128xi32, #tpu.memory_space<hbm>>) dst(%arg7 : memref<95x128xi32, #tpu.memory_space<vmem>>)
      tpu.yield
    }) : () -> ()
    "tpu.region"() ({
      %run_scoped3A = tpu.sem_alloc : memref<!tpu.dma_semaphore, #tpu.memory_space<semaphore_mem>>
      %dma_start3A = arith.constant 0 : i32
      %dma_start3A_15 = arith.constant 0 : i32
      %dma_start3A_16 = tpu.memref_slice %arg4[%add3A, %dma_start3A, %dma_start3A_15] : memref<32x95x128xi32, #tpu.memory_space<hbm>> -> memref<1x95x128xi32, #tpu.memory_space<hbm>>
      %dma_start3A_17 = tpu.memref_squeeze %dma_start3A_16 : memref<1x95x128xi32, #tpu.memory_space<hbm>> -> memref<95x128xi32, #tpu.memory_space<hbm>>
      %dma_start3A_18 = arith.constant 0 : i32
      %dma_start3A_19 = arith.constant 0 : i32
      %dma_start3A_20 = tpu.memref_slice %arg4[%add3A, %dma_start3A_18, %dma_start3A_19] : memref<32x95x128xi32, #tpu.memory_space<hbm>> -> memref<1x95x128xi32, #tpu.memory_space<hbm>>
      %dma_start3A_21 = tpu.memref_squeeze %dma_start3A_20 : memref<1x95x128xi32, #tpu.memory_space<hbm>> -> memref<95x128xi32, #tpu.memory_space<hbm>>
      tpu.enqueue_dma source(%dma_start3A_21 : memref<95x128xi32, #tpu.memory_space<hbm>>) target(%arg8 : memref<95x128xi32, #tpu.memory_space<vmem>>) target_semaphore(%run_scoped3A : memref<!tpu.dma_semaphore, #tpu.memory_space<semaphore_mem>>)
      %dma_wait3A = arith.constant 0 : i32
      %dma_wait3A_22 = arith.constant 0 : i32
      %dma_wait3A_23 = tpu.memref_slice %arg4[%add3A, %dma_wait3A, %dma_wait3A_22] : memref<32x95x128xi32, #tpu.memory_space<hbm>> -> memref<1x95x128xi32, #tpu.memory_space<hbm>>
      %dma_wait3A_24 = tpu.memref_squeeze %dma_wait3A_23 : memref<1x95x128xi32, #tpu.memory_space<hbm>> -> memref<95x128xi32, #tpu.memory_space<hbm>>
      %dma_wait3A_25 = arith.constant 0 : i32
      %dma_wait3A_26 = arith.constant 0 : i32
      %dma_wait3A_27 = tpu.memref_slice %arg4[%add3A, %dma_wait3A_25, %dma_wait3A_26] : memref<32x95x128xi32, #tpu.memory_space<hbm>> -> memref<1x95x128xi32, #tpu.memory_space<hbm>>
      %dma_wait3A_28 = tpu.memref_squeeze %dma_wait3A_27 : memref<1x95x128xi32, #tpu.memory_space<hbm>> -> memref<95x128xi32, #tpu.memory_space<hbm>>
      tpu.wait_dma2 semaphore(%run_scoped3A : memref<!tpu.dma_semaphore, #tpu.memory_space<semaphore_mem>>) src(%dma_wait3A_28 : memref<95x128xi32, #tpu.memory_space<hbm>>) dst(%arg8 : memref<95x128xi32, #tpu.memory_space<vmem>>)
      tpu.yield
    }) : () -> ()
    %mul3A_3 = arith.constant 632 : i32
    %mul3A_4 = arith.muli %arg1, %mul3A_3 : i32
    "tpu.region"() ({
      %run_scoped3A = tpu.sem_alloc : memref<!tpu.dma_semaphore, #tpu.memory_space<semaphore_mem>>
      %dma_start3A = arith.constant 0 : i32
      %dma_start3A_15 = tpu.memref_slice %arg10[%mul3A_4, %dma_start3A] : memref<10112x128xf32, #tpu.memory_space<vmem_shared>> -> memref<632x128xf32, #tpu.memory_space<vmem_shared>>
      tpu.enqueue_dma source(%arg5 : memref<632x128xf32, #tpu.memory_space<hbm>>) target(%dma_start3A_15 : memref<632x128xf32, #tpu.memory_space<vmem_shared>>) target_semaphore(%run_scoped3A : memref<!tpu.dma_semaphore, #tpu.memory_space<semaphore_mem>>)
      %dma_wait3A = arith.constant 0 : i32
      %dma_wait3A_16 = tpu.memref_slice %arg10[%mul3A_4, %dma_wait3A] : memref<10112x128xf32, #tpu.memory_space<vmem_shared>> -> memref<632x128xf32, #tpu.memory_space<vmem_shared>>
      tpu.wait_dma2 semaphore(%run_scoped3A : memref<!tpu.dma_semaphore, #tpu.memory_space<semaphore_mem>>) src(%arg5 : memref<632x128xf32, #tpu.memory_space<hbm>>) dst(%dma_wait3A_16 : memref<632x128xf32, #tpu.memory_space<vmem_shared>>)
      tpu.yield
    }) : () -> ()
    %barrier3A = arith.constant 0 : index
    tpu.barrier barrier_id(%barrier3A)
    %while3A = arith.constant 0 : i32
    %while3A_5 = arith.constant 0 : i32
    %while3A_6 = arith.subi %select_n3A, %while3A_5 : i32
    %while3A_7 = arith.addi %while3A_5, %while3A_6 : i32
    %while3A_8 = arith.constant 1 : i32
    %while3A_9 = arith.divsi %while3A_6, %while3A_8 : i32
    %while3A_10 = arith.muli %while3A_9, %while3A_8 : i32
    %while3A_11 = arith.addi %while3A_5, %while3A_10 : i32
    %while3A_12 = arith.constant 1 : i32
    scf.for %while3A_15 = %while3A_5 to %while3A_11 step %while3A_12  : i32 {
      "tpu.region"() ({
        %run_scoped3A = tpu.sem_alloc : memref<!tpu.dma_semaphore, #tpu.memory_space<semaphore_mem>>
        %dma_start3A = arith.constant 0 : i32
        %dma_start3A_16 = tpu.memref_slice %arg7[%while3A_15, %dma_start3A] : memref<95x128xi32, #tpu.memory_space<vmem>> -> memref<1x128xi32, #tpu.memory_space<vmem>>
        %dma_start3A_17 = tpu.memref_squeeze %dma_start3A_16 : memref<1x128xi32, #tpu.memory_space<vmem>> -> memref<128xi32, #tpu.memory_space<vmem>>
        %dma_start3A_18 = arith.constant 0 : i32
        %dma_start3A_19 = arith.constant 0 : i32
        %dma_start3A_20 = tpu.memref_slice %arg2[%dma_start3A_18, %dma_start3A_19] : memref<10000x128xf32, #tpu.memory_space<hbm>> -> memref<10000x128xf32, #tpu.memory_space<hbm>>
        tpu.enqueue_indirect_dma source(%dma_start3A_20 : memref<10000x128xf32, #tpu.memory_space<hbm>>) target(%arg9 : memref<128x128xf32, #tpu.memory_space<vmem>>) offsets(%dma_start3A_17 : memref<128xi32, #tpu.memory_space<vmem>>) semaphore(%run_scoped3A : memref<!tpu.dma_semaphore, #tpu.memory_space<semaphore_mem>>)
        %dma_wait3A = arith.constant 0 : i32
        %dma_wait3A_21 = tpu.memref_slice %arg7[%while3A_15, %dma_wait3A] : memref<95x128xi32, #tpu.memory_space<vmem>> -> memref<1x128xi32, #tpu.memory_space<vmem>>
        %dma_wait3A_22 = tpu.memref_squeeze %dma_wait3A_21 : memref<1x128xi32, #tpu.memory_space<vmem>> -> memref<128xi32, #tpu.memory_space<vmem>>
        %dma_wait3A_23 = arith.constant 0 : i32
        %dma_wait3A_24 = arith.constant 0 : i32
        %dma_wait3A_25 = tpu.memref_slice %arg2[%dma_wait3A_23, %dma_wait3A_24] : memref<10000x128xf32, #tpu.memory_space<hbm>> -> memref<10000x128xf32, #tpu.memory_space<hbm>>
        tpu.wait_indirect_dma semaphore(%run_scoped3A : memref<!tpu.dma_semaphore, #tpu.memory_space<semaphore_mem>>) src(%dma_wait3A_25 : memref<10000x128xf32, #tpu.memory_space<hbm>>) dst(%arg9 : memref<128x128xf32, #tpu.memory_space<vmem>>)
        tpu.yield
      }) : () -> ()
      "tpu.region"() ({
        %run_scoped3A = tpu.sem_alloc : memref<!tpu.dma_semaphore, #tpu.memory_space<semaphore_mem>>
        %dma_start3A = arith.constant 0 : i32
        %dma_start3A_16 = tpu.memref_slice %arg8[%while3A_15, %dma_start3A] : memref<95x128xi32, #tpu.memory_space<vmem>> -> memref<1x128xi32, #tpu.memory_space<vmem>>
        %dma_start3A_17 = tpu.memref_squeeze %dma_start3A_16 : memref<1x128xi32, #tpu.memory_space<vmem>> -> memref<128xi32, #tpu.memory_space<vmem>>
        %dma_start3A_18 = arith.constant 0 : i32
        %dma_start3A_19 = arith.constant 0 : i32
        %dma_start3A_20 = tpu.memref_slice %arg10[%dma_start3A_18, %dma_start3A_19] : memref<10112x128xf32, #tpu.memory_space<vmem_shared>> -> memref<10112x128xf32, #tpu.memory_space<vmem_shared>>
        tpu.enqueue_indirect_dma source(%arg9 : memref<128x128xf32, #tpu.memory_space<vmem>>) target(%dma_start3A_20 : memref<10112x128xf32, #tpu.memory_space<vmem_shared>>) offsets(%dma_start3A_17 : memref<128xi32, #tpu.memory_space<vmem>>) semaphore(%run_scoped3A : memref<!tpu.dma_semaphore, #tpu.memory_space<semaphore_mem>>) {add = true}
        %dma_wait3A = arith.constant 0 : i32
        %dma_wait3A_21 = tpu.memref_slice %arg8[%while3A_15, %dma_wait3A] : memref<95x128xi32, #tpu.memory_space<vmem>> -> memref<1x128xi32, #tpu.memory_space<vmem>>
        %dma_wait3A_22 = tpu.memref_squeeze %dma_wait3A_21 : memref<1x128xi32, #tpu.memory_space<vmem>> -> memref<128xi32, #tpu.memory_space<vmem>>
        %dma_wait3A_23 = arith.constant 0 : i32
        %dma_wait3A_24 = arith.constant 0 : i32
        %dma_wait3A_25 = tpu.memref_slice %arg10[%dma_wait3A_23, %dma_wait3A_24] : memref<10112x128xf32, #tpu.memory_space<vmem_shared>> -> memref<10112x128xf32, #tpu.memory_space<vmem_shared>>
        tpu.wait_indirect_dma semaphore(%run_scoped3A : memref<!tpu.dma_semaphore, #tpu.memory_space<semaphore_mem>>) src(%arg9 : memref<128x128xf32, #tpu.memory_space<vmem>>) dst(%dma_wait3A_25 : memref<10112x128xf32, #tpu.memory_space<vmem_shared>>)
        tpu.yield
      }) : () -> ()
    }
    %while3A_13 = arith.constant 1 : i32
    scf.for %while3A_15 = %while3A_11 to %while3A_7 step %while3A_13  : i32 {
      "tpu.region"() ({
        %run_scoped3A = tpu.sem_alloc : memref<!tpu.dma_semaphore, #tpu.memory_space<semaphore_mem>>
        %dma_start3A = arith.constant 0 : i32
        %dma_start3A_16 = tpu.memref_slice %arg7[%while3A_15, %dma_start3A] : memref<95x128xi32, #tpu.memory_space<vmem>> -> memref<1x128xi32, #tpu.memory_space<vmem>>
        %dma_start3A_17 = tpu.memref_squeeze %dma_start3A_16 : memref<1x128xi32, #tpu.memory_space<vmem>> -> memref<128xi32, #tpu.memory_space<vmem>>
        %dma_start3A_18 = arith.constant 0 : i32
        %dma_start3A_19 = arith.constant 0 : i32
        %dma_start3A_20 = tpu.memref_slice %arg2[%dma_start3A_18, %dma_start3A_19] : memref<10000x128xf32, #tpu.memory_space<hbm>> -> memref<10000x128xf32, #tpu.memory_space<hbm>>
        tpu.enqueue_indirect_dma source(%dma_start3A_20 : memref<10000x128xf32, #tpu.memory_space<hbm>>) target(%arg9 : memref<128x128xf32, #tpu.memory_space<vmem>>) offsets(%dma_start3A_17 : memref<128xi32, #tpu.memory_space<vmem>>) semaphore(%run_scoped3A : memref<!tpu.dma_semaphore, #tpu.memory_space<semaphore_mem>>)
        %dma_wait3A = arith.constant 0 : i32
        %dma_wait3A_21 = tpu.memref_slice %arg7[%while3A_15, %dma_wait3A] : memref<95x128xi32, #tpu.memory_space<vmem>> -> memref<1x128xi32, #tpu.memory_space<vmem>>
        %dma_wait3A_22 = tpu.memref_squeeze %dma_wait3A_21 : memref<1x128xi32, #tpu.memory_space<vmem>> -> memref<128xi32, #tpu.memory_space<vmem>>
        %dma_wait3A_23 = arith.constant 0 : i32
        %dma_wait3A_24 = arith.constant 0 : i32
        %dma_wait3A_25 = tpu.memref_slice %arg2[%dma_wait3A_23, %dma_wait3A_24] : memref<10000x128xf32, #tpu.memory_space<hbm>> -> memref<10000x128xf32, #tpu.memory_space<hbm>>
        tpu.wait_indirect_dma semaphore(%run_scoped3A : memref<!tpu.dma_semaphore, #tpu.memory_space<semaphore_mem>>) src(%dma_wait3A_25 : memref<10000x128xf32, #tpu.memory_space<hbm>>) dst(%arg9 : memref<128x128xf32, #tpu.memory_space<vmem>>)
        tpu.yield
      }) : () -> ()
      "tpu.region"() ({
        %run_scoped3A = tpu.sem_alloc : memref<!tpu.dma_semaphore, #tpu.memory_space<semaphore_mem>>
        %dma_start3A = arith.constant 0 : i32
        %dma_start3A_16 = tpu.memref_slice %arg8[%while3A_15, %dma_start3A] : memref<95x128xi32, #tpu.memory_space<vmem>> -> memref<1x128xi32, #tpu.memory_space<vmem>>
        %dma_start3A_17 = tpu.memref_squeeze %dma_start3A_16 : memref<1x128xi32, #tpu.memory_space<vmem>> -> memref<128xi32, #tpu.memory_space<vmem>>
        %dma_start3A_18 = arith.constant 0 : i32
        %dma_start3A_19 = arith.constant 0 : i32
        %dma_start3A_20 = tpu.memref_slice %arg10[%dma_start3A_18, %dma_start3A_19] : memref<10112x128xf32, #tpu.memory_space<vmem_shared>> -> memref<10112x128xf32, #tpu.memory_space<vmem_shared>>
        tpu.enqueue_indirect_dma source(%arg9 : memref<128x128xf32, #tpu.memory_space<vmem>>) target(%dma_start3A_20 : memref<10112x128xf32, #tpu.memory_space<vmem_shared>>) offsets(%dma_start3A_17 : memref<128xi32, #tpu.memory_space<vmem>>) semaphore(%run_scoped3A : memref<!tpu.dma_semaphore, #tpu.memory_space<semaphore_mem>>) {add = true}
        %dma_wait3A = arith.constant 0 : i32
        %dma_wait3A_21 = tpu.memref_slice %arg8[%while3A_15, %dma_wait3A] : memref<95x128xi32, #tpu.memory_space<vmem>> -> memref<1x128xi32, #tpu.memory_space<vmem>>
        %dma_wait3A_22 = tpu.memref_squeeze %dma_wait3A_21 : memref<1x128xi32, #tpu.memory_space<vmem>> -> memref<128xi32, #tpu.memory_space<vmem>>
        %dma_wait3A_23 = arith.constant 0 : i32
        %dma_wait3A_24 = arith.constant 0 : i32
        %dma_wait3A_25 = tpu.memref_slice %arg10[%dma_wait3A_23, %dma_wait3A_24] : memref<10112x128xf32, #tpu.memory_space<vmem_shared>> -> memref<10112x128xf32, #tpu.memory_space<vmem_shared>>
        tpu.wait_indirect_dma semaphore(%run_scoped3A : memref<!tpu.dma_semaphore, #tpu.memory_space<semaphore_mem>>) src(%arg9 : memref<128x128xf32, #tpu.memory_space<vmem>>) dst(%dma_wait3A_25 : memref<10112x128xf32, #tpu.memory_space<vmem_shared>>)
        tpu.yield
      }) : () -> ()
    }
    %barrier3A_14 = arith.constant 0 : index
    tpu.barrier barrier_id(%barrier3A_14)
    "tpu.region"() ({
      %run_scoped3A = tpu.sem_alloc : memref<!tpu.dma_semaphore, #tpu.memory_space<semaphore_mem>>
      %dma_start3A = arith.constant 0 : i32
      %dma_start3A_15 = arith.constant 0 : i32
      %dma_start3A_16 = tpu.memref_slice %arg6[%arg0, %dma_start3A, %dma_start3A_15] : memref<2x10112x128xf32, #tpu.memory_space<hbm>> -> memref<1x10112x128xf32, #tpu.memory_space<hbm>>
      %dma_start3A_17 = tpu.memref_squeeze %dma_start3A_16 : memref<1x10112x128xf32, #tpu.memory_space<hbm>> -> memref<10112x128xf32, #tpu.memory_space<hbm>>
      %dma_start3A_18 = arith.constant 0 : i32
      %dma_start3A_19 = tpu.memref_slice %dma_start3A_17[%mul3A_4, %dma_start3A_18] : memref<10112x128xf32, #tpu.memory_space<hbm>> -> memref<632x128xf32, #tpu.memory_space<hbm>>
      %dma_start3A_20 = arith.constant 0 : i32
      %dma_start3A_21 = tpu.memref_slice %arg10[%mul3A_4, %dma_start3A_20] : memref<10112x128xf32, #tpu.memory_space<vmem_shared>> -> memref<632x128xf32, #tpu.memory_space<vmem_shared>>
      tpu.enqueue_dma source(%dma_start3A_21 : memref<632x128xf32, #tpu.memory_space<vmem_shared>>) target(%dma_start3A_19 : memref<632x128xf32, #tpu.memory_space<hbm>>) target_semaphore(%run_scoped3A : memref<!tpu.dma_semaphore, #tpu.memory_space<semaphore_mem>>)
      %dma_wait3A = arith.constant 0 : i32
      %dma_wait3A_22 = arith.constant 0 : i32
      %dma_wait3A_23 = tpu.memref_slice %arg6[%arg0, %dma_wait3A, %dma_wait3A_22] : memref<2x10112x128xf32, #tpu.memory_space<hbm>> -> memref<1x10112x128xf32, #tpu.memory_space<hbm>>
      %dma_wait3A_24 = tpu.memref_squeeze %dma_wait3A_23 : memref<1x10112x128xf32, #tpu.memory_space<hbm>> -> memref<10112x128xf32, #tpu.memory_space<hbm>>
      %dma_wait3A_25 = arith.constant 0 : i32
      %dma_wait3A_26 = tpu.memref_slice %dma_wait3A_24[%mul3A_4, %dma_wait3A_25] : memref<10112x128xf32, #tpu.memory_space<hbm>> -> memref<632x128xf32, #tpu.memory_space<hbm>>
      %dma_wait3A_27 = arith.constant 0 : i32
      %dma_wait3A_28 = tpu.memref_slice %arg10[%mul3A_4, %dma_wait3A_27] : memref<10112x128xf32, #tpu.memory_space<vmem_shared>> -> memref<632x128xf32, #tpu.memory_space<vmem_shared>>
      tpu.wait_dma2 semaphore(%run_scoped3A : memref<!tpu.dma_semaphore, #tpu.memory_space<semaphore_mem>>) src(%dma_wait3A_28 : memref<632x128xf32, #tpu.memory_space<vmem_shared>>) dst(%dma_wait3A_26 : memref<632x128xf32, #tpu.memory_space<hbm>>)
      tpu.yield
    }) : () -> ()
    return
  }
}

#map = affine_map<(d0, d1) -> (0, 0, 0)>
#map1 = affine_map<(d0, d1) -> (0, 0)>
module attributes {stable_mosaic.version = 14 : i64} {
  func.func @deg_k(%arg0: i32, %arg1: i32, %arg2: memref<32x95x128xi32, #tpu.memory_space<hbm>>, %arg3: memref<632x128xf32, #tpu.memory_space<hbm>>, %arg4: memref<128x128xf32, #tpu.memory_space<hbm>>, %arg5: memref<2x10112x128xf32, #tpu.memory_space<hbm>>, %arg6: memref<95x128xi32, #tpu.memory_space<vmem>>, %arg7: memref<128x128xf32, #tpu.memory_space<vmem>>, %arg8: memref<10112x128xf32, #tpu.memory_space<vmem_shared>>) attributes {dimension_semantics = [#tpu.dimension_semantics<core_parallel>, #tpu.dimension_semantics<subcore_parallel>], iteration_bounds = array<i64: 2, 16>, scalar_prefetch = 0 : i64, scratch_operands = 3 : i64, tpu.core_type = #tpu.core_type<sc_vector_subcore>, window_params = [{transform_indices = #map}, {transform_indices = #map1}, {transform_indices = #map1}, {transform_indices = #map}]} {
    %mul3A = arith.constant 16 : i32
    %mul3A_0 = arith.muli %arg0, %mul3A : i32
    %add3A = arith.addi %mul3A_0, %arg1 : i32
    %eq3A = arith.constant 0 : i32
    %eq3A_1 = arith.cmpi eq, %arg0, %eq3A : i32
    %jit3A = arith.constant 95 : i32
    %jit3A_2 = arith.constant 62 : i32
    %select_n3A = arith.select %eq3A_1, %jit3A, %jit3A_2 : i32
    "tpu.region"() ({
      %run_scoped3A = tpu.sem_alloc : memref<!tpu.dma_semaphore, #tpu.memory_space<semaphore_mem>>
      %dma_start3A = arith.constant 0 : i32
      %dma_start3A_15 = arith.constant 0 : i32
      %dma_start3A_16 = tpu.memref_slice %arg2[%add3A, %dma_start3A, %dma_start3A_15] : memref<32x95x128xi32, #tpu.memory_space<hbm>> -> memref<1x95x128xi32, #tpu.memory_space<hbm>>
      %dma_start3A_17 = tpu.memref_squeeze %dma_start3A_16 : memref<1x95x128xi32, #tpu.memory_space<hbm>> -> memref<95x128xi32, #tpu.memory_space<hbm>>
      %dma_start3A_18 = arith.constant 0 : i32
      %dma_start3A_19 = arith.constant 0 : i32
      %dma_start3A_20 = tpu.memref_slice %arg2[%add3A, %dma_start3A_18, %dma_start3A_19] : memref<32x95x128xi32, #tpu.memory_space<hbm>> -> memref<1x95x128xi32, #tpu.memory_space<hbm>>
      %dma_start3A_21 = tpu.memref_squeeze %dma_start3A_20 : memref<1x95x128xi32, #tpu.memory_space<hbm>> -> memref<95x128xi32, #tpu.memory_space<hbm>>
      tpu.enqueue_dma source(%dma_start3A_21 : memref<95x128xi32, #tpu.memory_space<hbm>>) target(%arg6 : memref<95x128xi32, #tpu.memory_space<vmem>>) target_semaphore(%run_scoped3A : memref<!tpu.dma_semaphore, #tpu.memory_space<semaphore_mem>>)
      %dma_wait3A = arith.constant 0 : i32
      %dma_wait3A_22 = arith.constant 0 : i32
      %dma_wait3A_23 = tpu.memref_slice %arg2[%add3A, %dma_wait3A, %dma_wait3A_22] : memref<32x95x128xi32, #tpu.memory_space<hbm>> -> memref<1x95x128xi32, #tpu.memory_space<hbm>>
      %dma_wait3A_24 = tpu.memref_squeeze %dma_wait3A_23 : memref<1x95x128xi32, #tpu.memory_space<hbm>> -> memref<95x128xi32, #tpu.memory_space<hbm>>
      %dma_wait3A_25 = arith.constant 0 : i32
      %dma_wait3A_26 = arith.constant 0 : i32
      %dma_wait3A_27 = tpu.memref_slice %arg2[%add3A, %dma_wait3A_25, %dma_wait3A_26] : memref<32x95x128xi32, #tpu.memory_space<hbm>> -> memref<1x95x128xi32, #tpu.memory_space<hbm>>
      %dma_wait3A_28 = tpu.memref_squeeze %dma_wait3A_27 : memref<1x95x128xi32, #tpu.memory_space<hbm>> -> memref<95x128xi32, #tpu.memory_space<hbm>>
      tpu.wait_dma2 semaphore(%run_scoped3A : memref<!tpu.dma_semaphore, #tpu.memory_space<semaphore_mem>>) src(%dma_wait3A_28 : memref<95x128xi32, #tpu.memory_space<hbm>>) dst(%arg6 : memref<95x128xi32, #tpu.memory_space<vmem>>)
      tpu.yield
    }) : () -> ()
    "tpu.region"() ({
      %run_scoped3A = tpu.sem_alloc : memref<!tpu.dma_semaphore, #tpu.memory_space<semaphore_mem>>
      tpu.enqueue_dma source(%arg4 : memref<128x128xf32, #tpu.memory_space<hbm>>) target(%arg7 : memref<128x128xf32, #tpu.memory_space<vmem>>) target_semaphore(%run_scoped3A : memref<!tpu.dma_semaphore, #tpu.memory_space<semaphore_mem>>)
      tpu.wait_dma2 semaphore(%run_scoped3A : memref<!tpu.dma_semaphore, #tpu.memory_space<semaphore_mem>>) src(%arg4 : memref<128x128xf32, #tpu.memory_space<hbm>>) dst(%arg7 : memref<128x128xf32, #tpu.memory_space<vmem>>)
      tpu.yield
    }) : () -> ()
    %mul3A_3 = arith.constant 632 : i32
    %mul3A_4 = arith.muli %arg1, %mul3A_3 : i32
    "tpu.region"() ({
      %run_scoped3A = tpu.sem_alloc : memref<!tpu.dma_semaphore, #tpu.memory_space<semaphore_mem>>
      %dma_start3A = arith.constant 0 : i32
      %dma_start3A_15 = tpu.memref_slice %arg8[%mul3A_4, %dma_start3A] : memref<10112x128xf32, #tpu.memory_space<vmem_shared>> -> memref<632x128xf32, #tpu.memory_space<vmem_shared>>
      tpu.enqueue_dma source(%arg3 : memref<632x128xf32, #tpu.memory_space<hbm>>) target(%dma_start3A_15 : memref<632x128xf32, #tpu.memory_space<vmem_shared>>) target_semaphore(%run_scoped3A : memref<!tpu.dma_semaphore, #tpu.memory_space<semaphore_mem>>)
      %dma_wait3A = arith.constant 0 : i32
      %dma_wait3A_16 = tpu.memref_slice %arg8[%mul3A_4, %dma_wait3A] : memref<10112x128xf32, #tpu.memory_space<vmem_shared>> -> memref<632x128xf32, #tpu.memory_space<vmem_shared>>
      tpu.wait_dma2 semaphore(%run_scoped3A : memref<!tpu.dma_semaphore, #tpu.memory_space<semaphore_mem>>) src(%arg3 : memref<632x128xf32, #tpu.memory_space<hbm>>) dst(%dma_wait3A_16 : memref<632x128xf32, #tpu.memory_space<vmem_shared>>)
      tpu.yield
    }) : () -> ()
    %barrier3A = arith.constant 0 : index
    tpu.barrier barrier_id(%barrier3A)
    %while3A = arith.constant 0 : i32
    %while3A_5 = arith.constant 0 : i32
    %while3A_6 = arith.subi %select_n3A, %while3A_5 : i32
    %while3A_7 = arith.addi %while3A_5, %while3A_6 : i32
    %while3A_8 = arith.constant 1 : i32
    %while3A_9 = arith.divsi %while3A_6, %while3A_8 : i32
    %while3A_10 = arith.muli %while3A_9, %while3A_8 : i32
    %while3A_11 = arith.addi %while3A_5, %while3A_10 : i32
    %while3A_12 = arith.constant 1 : i32
    scf.for %while3A_15 = %while3A_5 to %while3A_11 step %while3A_12  : i32 {
      "tpu.region"() ({
        %run_scoped3A = tpu.sem_alloc : memref<!tpu.dma_semaphore, #tpu.memory_space<semaphore_mem>>
        %dma_start3A = arith.constant 0 : i32
        %dma_start3A_16 = tpu.memref_slice %arg6[%while3A_15, %dma_start3A] : memref<95x128xi32, #tpu.memory_space<vmem>> -> memref<1x128xi32, #tpu.memory_space<vmem>>
        %dma_start3A_17 = tpu.memref_squeeze %dma_start3A_16 : memref<1x128xi32, #tpu.memory_space<vmem>> -> memref<128xi32, #tpu.memory_space<vmem>>
        %dma_start3A_18 = arith.constant 0 : i32
        %dma_start3A_19 = arith.constant 0 : i32
        %dma_start3A_20 = tpu.memref_slice %arg8[%dma_start3A_18, %dma_start3A_19] : memref<10112x128xf32, #tpu.memory_space<vmem_shared>> -> memref<10112x128xf32, #tpu.memory_space<vmem_shared>>
        tpu.enqueue_indirect_dma source(%arg7 : memref<128x128xf32, #tpu.memory_space<vmem>>) target(%dma_start3A_20 : memref<10112x128xf32, #tpu.memory_space<vmem_shared>>) offsets(%dma_start3A_17 : memref<128xi32, #tpu.memory_space<vmem>>) semaphore(%run_scoped3A : memref<!tpu.dma_semaphore, #tpu.memory_space<semaphore_mem>>) {add = true}
        %dma_wait3A = arith.constant 0 : i32
        %dma_wait3A_21 = tpu.memref_slice %arg6[%while3A_15, %dma_wait3A] : memref<95x128xi32, #tpu.memory_space<vmem>> -> memref<1x128xi32, #tpu.memory_space<vmem>>
        %dma_wait3A_22 = tpu.memref_squeeze %dma_wait3A_21 : memref<1x128xi32, #tpu.memory_space<vmem>> -> memref<128xi32, #tpu.memory_space<vmem>>
        %dma_wait3A_23 = arith.constant 0 : i32
        %dma_wait3A_24 = arith.constant 0 : i32
        %dma_wait3A_25 = tpu.memref_slice %arg8[%dma_wait3A_23, %dma_wait3A_24] : memref<10112x128xf32, #tpu.memory_space<vmem_shared>> -> memref<10112x128xf32, #tpu.memory_space<vmem_shared>>
        tpu.wait_indirect_dma semaphore(%run_scoped3A : memref<!tpu.dma_semaphore, #tpu.memory_space<semaphore_mem>>) src(%arg7 : memref<128x128xf32, #tpu.memory_space<vmem>>) dst(%dma_wait3A_25 : memref<10112x128xf32, #tpu.memory_space<vmem_shared>>)
        tpu.yield
      }) : () -> ()
    }
    %while3A_13 = arith.constant 1 : i32
    scf.for %while3A_15 = %while3A_11 to %while3A_7 step %while3A_13  : i32 {
      "tpu.region"() ({
        %run_scoped3A = tpu.sem_alloc : memref<!tpu.dma_semaphore, #tpu.memory_space<semaphore_mem>>
        %dma_start3A = arith.constant 0 : i32
        %dma_start3A_16 = tpu.memref_slice %arg6[%while3A_15, %dma_start3A] : memref<95x128xi32, #tpu.memory_space<vmem>> -> memref<1x128xi32, #tpu.memory_space<vmem>>
        %dma_start3A_17 = tpu.memref_squeeze %dma_start3A_16 : memref<1x128xi32, #tpu.memory_space<vmem>> -> memref<128xi32, #tpu.memory_space<vmem>>
        %dma_start3A_18 = arith.constant 0 : i32
        %dma_start3A_19 = arith.constant 0 : i32
        %dma_start3A_20 = tpu.memref_slice %arg8[%dma_start3A_18, %dma_start3A_19] : memref<10112x128xf32, #tpu.memory_space<vmem_shared>> -> memref<10112x128xf32, #tpu.memory_space<vmem_shared>>
        tpu.enqueue_indirect_dma source(%arg7 : memref<128x128xf32, #tpu.memory_space<vmem>>) target(%dma_start3A_20 : memref<10112x128xf32, #tpu.memory_space<vmem_shared>>) offsets(%dma_start3A_17 : memref<128xi32, #tpu.memory_space<vmem>>) semaphore(%run_scoped3A : memref<!tpu.dma_semaphore, #tpu.memory_space<semaphore_mem>>) {add = true}
        %dma_wait3A = arith.constant 0 : i32
        %dma_wait3A_21 = tpu.memref_slice %arg6[%while3A_15, %dma_wait3A] : memref<95x128xi32, #tpu.memory_space<vmem>> -> memref<1x128xi32, #tpu.memory_space<vmem>>
        %dma_wait3A_22 = tpu.memref_squeeze %dma_wait3A_21 : memref<1x128xi32, #tpu.memory_space<vmem>> -> memref<128xi32, #tpu.memory_space<vmem>>
        %dma_wait3A_23 = arith.constant 0 : i32
        %dma_wait3A_24 = arith.constant 0 : i32
        %dma_wait3A_25 = tpu.memref_slice %arg8[%dma_wait3A_23, %dma_wait3A_24] : memref<10112x128xf32, #tpu.memory_space<vmem_shared>> -> memref<10112x128xf32, #tpu.memory_space<vmem_shared>>
        tpu.wait_indirect_dma semaphore(%run_scoped3A : memref<!tpu.dma_semaphore, #tpu.memory_space<semaphore_mem>>) src(%arg7 : memref<128x128xf32, #tpu.memory_space<vmem>>) dst(%dma_wait3A_25 : memref<10112x128xf32, #tpu.memory_space<vmem_shared>>)
        tpu.yield
      }) : () -> ()
    }
    %barrier3A_14 = arith.constant 0 : index
    tpu.barrier barrier_id(%barrier3A_14)
    "tpu.region"() ({
      %run_scoped3A = tpu.sem_alloc : memref<!tpu.dma_semaphore, #tpu.memory_space<semaphore_mem>>
      %dma_start3A = arith.constant 0 : i32
      %dma_start3A_15 = arith.constant 0 : i32
      %dma_start3A_16 = tpu.memref_slice %arg5[%arg0, %dma_start3A, %dma_start3A_15] : memref<2x10112x128xf32, #tpu.memory_space<hbm>> -> memref<1x10112x128xf32, #tpu.memory_space<hbm>>
      %dma_start3A_17 = tpu.memref_squeeze %dma_start3A_16 : memref<1x10112x128xf32, #tpu.memory_space<hbm>> -> memref<10112x128xf32, #tpu.memory_space<hbm>>
      %dma_start3A_18 = arith.constant 0 : i32
      %dma_start3A_19 = tpu.memref_slice %dma_start3A_17[%mul3A_4, %dma_start3A_18] : memref<10112x128xf32, #tpu.memory_space<hbm>> -> memref<632x128xf32, #tpu.memory_space<hbm>>
      %dma_start3A_20 = arith.constant 0 : i32
      %dma_start3A_21 = tpu.memref_slice %arg8[%mul3A_4, %dma_start3A_20] : memref<10112x128xf32, #tpu.memory_space<vmem_shared>> -> memref<632x128xf32, #tpu.memory_space<vmem_shared>>
      tpu.enqueue_dma source(%dma_start3A_21 : memref<632x128xf32, #tpu.memory_space<vmem_shared>>) target(%dma_start3A_19 : memref<632x128xf32, #tpu.memory_space<hbm>>) target_semaphore(%run_scoped3A : memref<!tpu.dma_semaphore, #tpu.memory_space<semaphore_mem>>)
      %dma_wait3A = arith.constant 0 : i32
      %dma_wait3A_22 = arith.constant 0 : i32
      %dma_wait3A_23 = tpu.memref_slice %arg5[%arg0, %dma_wait3A, %dma_wait3A_22] : memref<2x10112x128xf32, #tpu.memory_space<hbm>> -> memref<1x10112x128xf32, #tpu.memory_space<hbm>>
      %dma_wait3A_24 = tpu.memref_squeeze %dma_wait3A_23 : memref<1x10112x128xf32, #tpu.memory_space<hbm>> -> memref<10112x128xf32, #tpu.memory_space<hbm>>
      %dma_wait3A_25 = arith.constant 0 : i32
      %dma_wait3A_26 = tpu.memref_slice %dma_wait3A_24[%mul3A_4, %dma_wait3A_25] : memref<10112x128xf32, #tpu.memory_space<hbm>> -> memref<632x128xf32, #tpu.memory_space<hbm>>
      %dma_wait3A_27 = arith.constant 0 : i32
      %dma_wait3A_28 = tpu.memref_slice %arg8[%mul3A_4, %dma_wait3A_27] : memref<10112x128xf32, #tpu.memory_space<vmem_shared>> -> memref<632x128xf32, #tpu.memory_space<vmem_shared>>
      tpu.wait_dma2 semaphore(%run_scoped3A : memref<!tpu.dma_semaphore, #tpu.memory_space<semaphore_mem>>) src(%dma_wait3A_28 : memref<632x128xf32, #tpu.memory_space<vmem_shared>>) dst(%dma_wait3A_26 : memref<632x128xf32, #tpu.memory_space<hbm>>)
      tpu.yield
    }) : () -> ()
    return
  }
}

#map = affine_map<(d0, d1) -> (0, 0)>
#map1 = affine_map<(d0, d1) -> (0, 0, 0)>
module attributes {stable_mosaic.version = 14 : i64} {
  func.func @agg(%arg0: i32, %arg1: i32, %arg2: memref<10000x128xf32, #tpu.memory_space<hbm>>, %arg3: memref<32x95x128xi32, #tpu.memory_space<hbm>>, %arg4: memref<32x95x128xi32, #tpu.memory_space<hbm>>, %arg5: memref<632x128xf32, #tpu.memory_space<hbm>>, %arg6: memref<2x10112x128xf32, #tpu.memory_space<hbm>>, %arg7: memref<95x128xi32, #tpu.memory_space<vmem>>, %arg8: memref<95x128xi32, #tpu.memory_space<vmem>>, %arg9: memref<128x128xf32, #tpu.memory_space<vmem>>, %arg10: memref<10112x128xf32, #tpu.memory_space<vmem_shared>>) attributes {dimension_semantics = [#tpu.dimension_semantics<core_parallel>, #tpu.dimension_semantics<subcore_parallel>], iteration_bounds = array<i64: 2, 16>, scalar_prefetch = 0 : i64, scratch_operands = 4 : i64, tpu.core_type = #tpu.core_type<sc_vector_subcore>, window_params = [{transform_indices = #map}, {transform_indices = #map1}, {transform_indices = #map1}, {transform_indices = #map}, {transform_indices = #map1}]} {
    %mul3A = arith.constant 16 : i32
    %mul3A_0 = arith.muli %arg0, %mul3A : i32
    %add3A = arith.addi %mul3A_0, %arg1 : i32
    %eq3A = arith.constant 0 : i32
    %eq3A_1 = arith.cmpi eq, %arg0, %eq3A : i32
    %jit3A = arith.constant 95 : i32
    %jit3A_2 = arith.constant 62 : i32
    %select_n3A = arith.select %eq3A_1, %jit3A, %jit3A_2 : i32
    "tpu.region"() ({
      %run_scoped3A = tpu.sem_alloc : memref<!tpu.dma_semaphore, #tpu.memory_space<semaphore_mem>>
      %dma_start3A = arith.constant 0 : i32
      %dma_start3A_15 = arith.constant 0 : i32
      %dma_start3A_16 = tpu.memref_slice %arg3[%add3A, %dma_start3A, %dma_start3A_15] : memref<32x95x128xi32, #tpu.memory_space<hbm>> -> memref<1x95x128xi32, #tpu.memory_space<hbm>>
      %dma_start3A_17 = tpu.memref_squeeze %dma_start3A_16 : memref<1x95x128xi32, #tpu.memory_space<hbm>> -> memref<95x128xi32, #tpu.memory_space<hbm>>
      %dma_start3A_18 = arith.constant 0 : i32
      %dma_start3A_19 = arith.constant 0 : i32
      %dma_start3A_20 = tpu.memref_slice %arg3[%add3A, %dma_start3A_18, %dma_start3A_19] : memref<32x95x128xi32, #tpu.memory_space<hbm>> -> memref<1x95x128xi32, #tpu.memory_space<hbm>>
      %dma_start3A_21 = tpu.memref_squeeze %dma_start3A_20 : memref<1x95x128xi32, #tpu.memory_space<hbm>> -> memref<95x128xi32, #tpu.memory_space<hbm>>
      tpu.enqueue_dma source(%dma_start3A_21 : memref<95x128xi32, #tpu.memory_space<hbm>>) target(%arg7 : memref<95x128xi32, #tpu.memory_space<vmem>>) target_semaphore(%run_scoped3A : memref<!tpu.dma_semaphore, #tpu.memory_space<semaphore_mem>>)
      %dma_wait3A = arith.constant 0 : i32
      %dma_wait3A_22 = arith.constant 0 : i32
      %dma_wait3A_23 = tpu.memref_slice %arg3[%add3A, %dma_wait3A, %dma_wait3A_22] : memref<32x95x128xi32, #tpu.memory_space<hbm>> -> memref<1x95x128xi32, #tpu.memory_space<hbm>>
      %dma_wait3A_24 = tpu.memref_squeeze %dma_wait3A_23 : memref<1x95x128xi32, #tpu.memory_space<hbm>> -> memref<95x128xi32, #tpu.memory_space<hbm>>
      %dma_wait3A_25 = arith.constant 0 : i32
      %dma_wait3A_26 = arith.constant 0 : i32
      %dma_wait3A_27 = tpu.memref_slice %arg3[%add3A, %dma_wait3A_25, %dma_wait3A_26] : memref<32x95x128xi32, #tpu.memory_space<hbm>> -> memref<1x95x128xi32, #tpu.memory_space<hbm>>
      %dma_wait3A_28 = tpu.memref_squeeze %dma_wait3A_27 : memref<1x95x128xi32, #tpu.memory_space<hbm>> -> memref<95x128xi32, #tpu.memory_space<hbm>>
      tpu.wait_dma2 semaphore(%run_scoped3A : memref<!tpu.dma_semaphore, #tpu.memory_space<semaphore_mem>>) src(%dma_wait3A_28 : memref<95x128xi32, #tpu.memory_space<hbm>>) dst(%arg7 : memref<95x128xi32, #tpu.memory_space<vmem>>)
      tpu.yield
    }) : () -> ()
    "tpu.region"() ({
      %run_scoped3A = tpu.sem_alloc : memref<!tpu.dma_semaphore, #tpu.memory_space<semaphore_mem>>
      %dma_start3A = arith.constant 0 : i32
      %dma_start3A_15 = arith.constant 0 : i32
      %dma_start3A_16 = tpu.memref_slice %arg4[%add3A, %dma_start3A, %dma_start3A_15] : memref<32x95x128xi32, #tpu.memory_space<hbm>> -> memref<1x95x128xi32, #tpu.memory_space<hbm>>
      %dma_start3A_17 = tpu.memref_squeeze %dma_start3A_16 : memref<1x95x128xi32, #tpu.memory_space<hbm>> -> memref<95x128xi32, #tpu.memory_space<hbm>>
      %dma_start3A_18 = arith.constant 0 : i32
      %dma_start3A_19 = arith.constant 0 : i32
      %dma_start3A_20 = tpu.memref_slice %arg4[%add3A, %dma_start3A_18, %dma_start3A_19] : memref<32x95x128xi32, #tpu.memory_space<hbm>> -> memref<1x95x128xi32, #tpu.memory_space<hbm>>
      %dma_start3A_21 = tpu.memref_squeeze %dma_start3A_20 : memref<1x95x128xi32, #tpu.memory_space<hbm>> -> memref<95x128xi32, #tpu.memory_space<hbm>>
      tpu.enqueue_dma source(%dma_start3A_21 : memref<95x128xi32, #tpu.memory_space<hbm>>) target(%arg8 : memref<95x128xi32, #tpu.memory_space<vmem>>) target_semaphore(%run_scoped3A : memref<!tpu.dma_semaphore, #tpu.memory_space<semaphore_mem>>)
      %dma_wait3A = arith.constant 0 : i32
      %dma_wait3A_22 = arith.constant 0 : i32
      %dma_wait3A_23 = tpu.memref_slice %arg4[%add3A, %dma_wait3A, %dma_wait3A_22] : memref<32x95x128xi32, #tpu.memory_space<hbm>> -> memref<1x95x128xi32, #tpu.memory_space<hbm>>
      %dma_wait3A_24 = tpu.memref_squeeze %dma_wait3A_23 : memref<1x95x128xi32, #tpu.memory_space<hbm>> -> memref<95x128xi32, #tpu.memory_space<hbm>>
      %dma_wait3A_25 = arith.constant 0 : i32
      %dma_wait3A_26 = arith.constant 0 : i32
      %dma_wait3A_27 = tpu.memref_slice %arg4[%add3A, %dma_wait3A_25, %dma_wait3A_26] : memref<32x95x128xi32, #tpu.memory_space<hbm>> -> memref<1x95x128xi32, #tpu.memory_space<hbm>>
      %dma_wait3A_28 = tpu.memref_squeeze %dma_wait3A_27 : memref<1x95x128xi32, #tpu.memory_space<hbm>> -> memref<95x128xi32, #tpu.memory_space<hbm>>
      tpu.wait_dma2 semaphore(%run_scoped3A : memref<!tpu.dma_semaphore, #tpu.memory_space<semaphore_mem>>) src(%dma_wait3A_28 : memref<95x128xi32, #tpu.memory_space<hbm>>) dst(%arg8 : memref<95x128xi32, #tpu.memory_space<vmem>>)
      tpu.yield
    }) : () -> ()
    %mul3A_3 = arith.constant 632 : i32
    %mul3A_4 = arith.muli %arg1, %mul3A_3 : i32
    "tpu.region"() ({
      %run_scoped3A = tpu.sem_alloc : memref<!tpu.dma_semaphore, #tpu.memory_space<semaphore_mem>>
      %dma_start3A = arith.constant 0 : i32
      %dma_start3A_15 = tpu.memref_slice %arg10[%mul3A_4, %dma_start3A] : memref<10112x128xf32, #tpu.memory_space<vmem_shared>> -> memref<632x128xf32, #tpu.memory_space<vmem_shared>>
      tpu.enqueue_dma source(%arg5 : memref<632x128xf32, #tpu.memory_space<hbm>>) target(%dma_start3A_15 : memref<632x128xf32, #tpu.memory_space<vmem_shared>>) target_semaphore(%run_scoped3A : memref<!tpu.dma_semaphore, #tpu.memory_space<semaphore_mem>>)
      %dma_wait3A = arith.constant 0 : i32
      %dma_wait3A_16 = tpu.memref_slice %arg10[%mul3A_4, %dma_wait3A] : memref<10112x128xf32, #tpu.memory_space<vmem_shared>> -> memref<632x128xf32, #tpu.memory_space<vmem_shared>>
      tpu.wait_dma2 semaphore(%run_scoped3A : memref<!tpu.dma_semaphore, #tpu.memory_space<semaphore_mem>>) src(%arg5 : memref<632x128xf32, #tpu.memory_space<hbm>>) dst(%dma_wait3A_16 : memref<632x128xf32, #tpu.memory_space<vmem_shared>>)
      tpu.yield
    }) : () -> ()
    %barrier3A = arith.constant 0 : index
    tpu.barrier barrier_id(%barrier3A)
    %while3A = arith.constant 0 : i32
    %while3A_5 = arith.constant 0 : i32
    %while3A_6 = arith.subi %select_n3A, %while3A_5 : i32
    %while3A_7 = arith.addi %while3A_5, %while3A_6 : i32
    %while3A_8 = arith.constant 1 : i32
    %while3A_9 = arith.divsi %while3A_6, %while3A_8 : i32
    %while3A_10 = arith.muli %while3A_9, %while3A_8 : i32
    %while3A_11 = arith.addi %while3A_5, %while3A_10 : i32
    %while3A_12 = arith.constant 1 : i32
    scf.for %while3A_15 = %while3A_5 to %while3A_11 step %while3A_12  : i32 {
      "tpu.region"() ({
        %run_scoped3A = tpu.sem_alloc : memref<!tpu.dma_semaphore, #tpu.memory_space<semaphore_mem>>
        %dma_start3A = arith.constant 0 : i32
        %dma_start3A_16 = tpu.memref_slice %arg7[%while3A_15, %dma_start3A] : memref<95x128xi32, #tpu.memory_space<vmem>> -> memref<1x128xi32, #tpu.memory_space<vmem>>
        %dma_start3A_17 = tpu.memref_squeeze %dma_start3A_16 : memref<1x128xi32, #tpu.memory_space<vmem>> -> memref<128xi32, #tpu.memory_space<vmem>>
        %dma_start3A_18 = arith.constant 0 : i32
        %dma_start3A_19 = arith.constant 0 : i32
        %dma_start3A_20 = tpu.memref_slice %arg2[%dma_start3A_18, %dma_start3A_19] : memref<10000x128xf32, #tpu.memory_space<hbm>> -> memref<10000x128xf32, #tpu.memory_space<hbm>>
        tpu.enqueue_indirect_dma source(%dma_start3A_20 : memref<10000x128xf32, #tpu.memory_space<hbm>>) target(%arg9 : memref<128x128xf32, #tpu.memory_space<vmem>>) offsets(%dma_start3A_17 : memref<128xi32, #tpu.memory_space<vmem>>) semaphore(%run_scoped3A : memref<!tpu.dma_semaphore, #tpu.memory_space<semaphore_mem>>)
        %dma_wait3A = arith.constant 0 : i32
        %dma_wait3A_21 = tpu.memref_slice %arg7[%while3A_15, %dma_wait3A] : memref<95x128xi32, #tpu.memory_space<vmem>> -> memref<1x128xi32, #tpu.memory_space<vmem>>
        %dma_wait3A_22 = tpu.memref_squeeze %dma_wait3A_21 : memref<1x128xi32, #tpu.memory_space<vmem>> -> memref<128xi32, #tpu.memory_space<vmem>>
        %dma_wait3A_23 = arith.constant 0 : i32
        %dma_wait3A_24 = arith.constant 0 : i32
        %dma_wait3A_25 = tpu.memref_slice %arg2[%dma_wait3A_23, %dma_wait3A_24] : memref<10000x128xf32, #tpu.memory_space<hbm>> -> memref<10000x128xf32, #tpu.memory_space<hbm>>
        tpu.wait_indirect_dma semaphore(%run_scoped3A : memref<!tpu.dma_semaphore, #tpu.memory_space<semaphore_mem>>) src(%dma_wait3A_25 : memref<10000x128xf32, #tpu.memory_space<hbm>>) dst(%arg9 : memref<128x128xf32, #tpu.memory_space<vmem>>)
        tpu.yield
      }) : () -> ()
      "tpu.region"() ({
        %run_scoped3A = tpu.sem_alloc : memref<!tpu.dma_semaphore, #tpu.memory_space<semaphore_mem>>
        %dma_start3A = arith.constant 0 : i32
        %dma_start3A_16 = tpu.memref_slice %arg8[%while3A_15, %dma_start3A] : memref<95x128xi32, #tpu.memory_space<vmem>> -> memref<1x128xi32, #tpu.memory_space<vmem>>
        %dma_start3A_17 = tpu.memref_squeeze %dma_start3A_16 : memref<1x128xi32, #tpu.memory_space<vmem>> -> memref<128xi32, #tpu.memory_space<vmem>>
        %dma_start3A_18 = arith.constant 0 : i32
        %dma_start3A_19 = arith.constant 0 : i32
        %dma_start3A_20 = tpu.memref_slice %arg10[%dma_start3A_18, %dma_start3A_19] : memref<10112x128xf32, #tpu.memory_space<vmem_shared>> -> memref<10112x128xf32, #tpu.memory_space<vmem_shared>>
        tpu.enqueue_indirect_dma source(%arg9 : memref<128x128xf32, #tpu.memory_space<vmem>>) target(%dma_start3A_20 : memref<10112x128xf32, #tpu.memory_space<vmem_shared>>) offsets(%dma_start3A_17 : memref<128xi32, #tpu.memory_space<vmem>>) semaphore(%run_scoped3A : memref<!tpu.dma_semaphore, #tpu.memory_space<semaphore_mem>>) {add = true}
        %dma_wait3A = arith.constant 0 : i32
        %dma_wait3A_21 = tpu.memref_slice %arg8[%while3A_15, %dma_wait3A] : memref<95x128xi32, #tpu.memory_space<vmem>> -> memref<1x128xi32, #tpu.memory_space<vmem>>
        %dma_wait3A_22 = tpu.memref_squeeze %dma_wait3A_21 : memref<1x128xi32, #tpu.memory_space<vmem>> -> memref<128xi32, #tpu.memory_space<vmem>>
        %dma_wait3A_23 = arith.constant 0 : i32
        %dma_wait3A_24 = arith.constant 0 : i32
        %dma_wait3A_25 = tpu.memref_slice %arg10[%dma_wait3A_23, %dma_wait3A_24] : memref<10112x128xf32, #tpu.memory_space<vmem_shared>> -> memref<10112x128xf32, #tpu.memory_space<vmem_shared>>
        tpu.wait_indirect_dma semaphore(%run_scoped3A : memref<!tpu.dma_semaphore, #tpu.memory_space<semaphore_mem>>) src(%arg9 : memref<128x128xf32, #tpu.memory_space<vmem>>) dst(%dma_wait3A_25 : memref<10112x128xf32, #tpu.memory_space<vmem_shared>>)
        tpu.yield
      }) : () -> ()
    }
    %while3A_13 = arith.constant 1 : i32
    scf.for %while3A_15 = %while3A_11 to %while3A_7 step %while3A_13  : i32 {
      "tpu.region"() ({
        %run_scoped3A = tpu.sem_alloc : memref<!tpu.dma_semaphore, #tpu.memory_space<semaphore_mem>>
        %dma_start3A = arith.constant 0 : i32
        %dma_start3A_16 = tpu.memref_slice %arg7[%while3A_15, %dma_start3A] : memref<95x128xi32, #tpu.memory_space<vmem>> -> memref<1x128xi32, #tpu.memory_space<vmem>>
        %dma_start3A_17 = tpu.memref_squeeze %dma_start3A_16 : memref<1x128xi32, #tpu.memory_space<vmem>> -> memref<128xi32, #tpu.memory_space<vmem>>
        %dma_start3A_18 = arith.constant 0 : i32
        %dma_start3A_19 = arith.constant 0 : i32
        %dma_start3A_20 = tpu.memref_slice %arg2[%dma_start3A_18, %dma_start3A_19] : memref<10000x128xf32, #tpu.memory_space<hbm>> -> memref<10000x128xf32, #tpu.memory_space<hbm>>
        tpu.enqueue_indirect_dma source(%dma_start3A_20 : memref<10000x128xf32, #tpu.memory_space<hbm>>) target(%arg9 : memref<128x128xf32, #tpu.memory_space<vmem>>) offsets(%dma_start3A_17 : memref<128xi32, #tpu.memory_space<vmem>>) semaphore(%run_scoped3A : memref<!tpu.dma_semaphore, #tpu.memory_space<semaphore_mem>>)
        %dma_wait3A = arith.constant 0 : i32
        %dma_wait3A_21 = tpu.memref_slice %arg7[%while3A_15, %dma_wait3A] : memref<95x128xi32, #tpu.memory_space<vmem>> -> memref<1x128xi32, #tpu.memory_space<vmem>>
        %dma_wait3A_22 = tpu.memref_squeeze %dma_wait3A_21 : memref<1x128xi32, #tpu.memory_space<vmem>> -> memref<128xi32, #tpu.memory_space<vmem>>
        %dma_wait3A_23 = arith.constant 0 : i32
        %dma_wait3A_24 = arith.constant 0 : i32
        %dma_wait3A_25 = tpu.memref_slice %arg2[%dma_wait3A_23, %dma_wait3A_24] : memref<10000x128xf32, #tpu.memory_space<hbm>> -> memref<10000x128xf32, #tpu.memory_space<hbm>>
        tpu.wait_indirect_dma semaphore(%run_scoped3A : memref<!tpu.dma_semaphore, #tpu.memory_space<semaphore_mem>>) src(%dma_wait3A_25 : memref<10000x128xf32, #tpu.memory_space<hbm>>) dst(%arg9 : memref<128x128xf32, #tpu.memory_space<vmem>>)
        tpu.yield
      }) : () -> ()
      "tpu.region"() ({
        %run_scoped3A = tpu.sem_alloc : memref<!tpu.dma_semaphore, #tpu.memory_space<semaphore_mem>>
        %dma_start3A = arith.constant 0 : i32
        %dma_start3A_16 = tpu.memref_slice %arg8[%while3A_15, %dma_start3A] : memref<95x128xi32, #tpu.memory_space<vmem>> -> memref<1x128xi32, #tpu.memory_space<vmem>>
        %dma_start3A_17 = tpu.memref_squeeze %dma_start3A_16 : memref<1x128xi32, #tpu.memory_space<vmem>> -> memref<128xi32, #tpu.memory_space<vmem>>
        %dma_start3A_18 = arith.constant 0 : i32
        %dma_start3A_19 = arith.constant 0 : i32
        %dma_start3A_20 = tpu.memref_slice %arg10[%dma_start3A_18, %dma_start3A_19] : memref<10112x128xf32, #tpu.memory_space<vmem_shared>> -> memref<10112x128xf32, #tpu.memory_space<vmem_shared>>
        tpu.enqueue_indirect_dma source(%arg9 : memref<128x128xf32, #tpu.memory_space<vmem>>) target(%dma_start3A_20 : memref<10112x128xf32, #tpu.memory_space<vmem_shared>>) offsets(%dma_start3A_17 : memref<128xi32, #tpu.memory_space<vmem>>) semaphore(%run_scoped3A : memref<!tpu.dma_semaphore, #tpu.memory_space<semaphore_mem>>) {add = true}
        %dma_wait3A = arith.constant 0 : i32
        %dma_wait3A_21 = tpu.memref_slice %arg8[%while3A_15, %dma_wait3A] : memref<95x128xi32, #tpu.memory_space<vmem>> -> memref<1x128xi32, #tpu.memory_space<vmem>>
        %dma_wait3A_22 = tpu.memref_squeeze %dma_wait3A_21 : memref<1x128xi32, #tpu.memory_space<vmem>> -> memref<128xi32, #tpu.memory_space<vmem>>
        %dma_wait3A_23 = arith.constant 0 : i32
        %dma_wait3A_24 = arith.constant 0 : i32
        %dma_wait3A_25 = tpu.memref_slice %arg10[%dma_wait3A_23, %dma_wait3A_24] : memref<10112x128xf32, #tpu.memory_space<vmem_shared>> -> memref<10112x128xf32, #tpu.memory_space<vmem_shared>>
        tpu.wait_indirect_dma semaphore(%run_scoped3A : memref<!tpu.dma_semaphore, #tpu.memory_space<semaphore_mem>>) src(%arg9 : memref<128x128xf32, #tpu.memory_space<vmem>>) dst(%dma_wait3A_25 : memref<10112x128xf32, #tpu.memory_space<vmem_shared>>)
        tpu.yield
      }) : () -> ()
    }
    %barrier3A_14 = arith.constant 0 : index
    tpu.barrier barrier_id(%barrier3A_14)
    "tpu.region"() ({
      %run_scoped3A = tpu.sem_alloc : memref<!tpu.dma_semaphore, #tpu.memory_space<semaphore_mem>>
      %dma_start3A = arith.constant 0 : i32
      %dma_start3A_15 = arith.constant 0 : i32
      %dma_start3A_16 = tpu.memref_slice %arg6[%arg0, %dma_start3A, %dma_start3A_15] : memref<2x10112x128xf32, #tpu.memory_space<hbm>> -> memref<1x10112x128xf32, #tpu.memory_space<hbm>>
      %dma_start3A_17 = tpu.memref_squeeze %dma_start3A_16 : memref<1x10112x128xf32, #tpu.memory_space<hbm>> -> memref<10112x128xf32, #tpu.memory_space<hbm>>
      %dma_start3A_18 = arith.constant 0 : i32
      %dma_start3A_19 = tpu.memref_slice %dma_start3A_17[%mul3A_4, %dma_start3A_18] : memref<10112x128xf32, #tpu.memory_space<hbm>> -> memref<632x128xf32, #tpu.memory_space<hbm>>
      %dma_start3A_20 = arith.constant 0 : i32
      %dma_start3A_21 = tpu.memref_slice %arg10[%mul3A_4, %dma_start3A_20] : memref<10112x128xf32, #tpu.memory_space<vmem_shared>> -> memref<632x128xf32, #tpu.memory_space<vmem_shared>>
      tpu.enqueue_dma source(%dma_start3A_21 : memref<632x128xf32, #tpu.memory_space<vmem_shared>>) target(%dma_start3A_19 : memref<632x128xf32, #tpu.memory_space<hbm>>) target_semaphore(%run_scoped3A : memref<!tpu.dma_semaphore, #tpu.memory_space<semaphore_mem>>)
      %dma_wait3A = arith.constant 0 : i32
      %dma_wait3A_22 = arith.constant 0 : i32
      %dma_wait3A_23 = tpu.memref_slice %arg6[%arg0, %dma_wait3A, %dma_wait3A_22] : memref<2x10112x128xf32, #tpu.memory_space<hbm>> -> memref<1x10112x128xf32, #tpu.memory_space<hbm>>
      %dma_wait3A_24 = tpu.memref_squeeze %dma_wait3A_23 : memref<1x10112x128xf32, #tpu.memory_space<hbm>> -> memref<10112x128xf32, #tpu.memory_space<hbm>>
      %dma_wait3A_25 = arith.constant 0 : i32
      %dma_wait3A_26 = tpu.memref_slice %dma_wait3A_24[%mul3A_4, %dma_wait3A_25] : memref<10112x128xf32, #tpu.memory_space<hbm>> -> memref<632x128xf32, #tpu.memory_space<hbm>>
      %dma_wait3A_27 = arith.constant 0 : i32
      %dma_wait3A_28 = tpu.memref_slice %arg10[%mul3A_4, %dma_wait3A_27] : memref<10112x128xf32, #tpu.memory_space<vmem_shared>> -> memref<632x128xf32, #tpu.memory_space<vmem_shared>>
      tpu.wait_dma2 semaphore(%run_scoped3A : memref<!tpu.dma_semaphore, #tpu.memory_space<semaphore_mem>>) src(%dma_wait3A_28 : memref<632x128xf32, #tpu.memory_space<vmem_shared>>) dst(%dma_wait3A_26 : memref<632x128xf32, #tpu.memory_space<hbm>>)
      tpu.yield
    }) : () -> ()
    return
  }
}

module attributes {stable_mosaic.version = 14 : i64} {
  func.func @body(%arg0: i32, %arg1: memref<2x400x128xf32, #tpu.memory_space<vmem>>, %arg2: memref<2x400x128xf32, #tpu.memory_space<vmem>>, %arg3: memref<400x128xf32, #tpu.memory_space<vmem>>, %arg4: memref<128x128xf32, #tpu.memory_space<vmem>>, %arg5: memref<1x128xf32, #tpu.memory_space<vmem>>, %arg6: memref<128x128xf32, #tpu.memory_space<vmem>>, %arg7: memref<400x128xf32, #tpu.memory_space<vmem>>) attributes {dimension_semantics = [#tpu.dimension_semantics<arbitrary>], iteration_bounds = array<i64: 25>, scalar_prefetch = 0 : i64, scratch_operands = 0 : i64, tpu.core_type = #tpu.core_type<tc>, window_params = [{transform_indices = @transform_0, window_bounds = array<i64: 2, 400, 128>}, {transform_indices = @transform_1, window_bounds = array<i64: 2, 400, 128>}, {transform_indices = @transform_2, window_bounds = array<i64: 400, 128>}, {pipeline_mode = #tpu.pipeline_mode<synchronous>, transform_indices = @transform_3, window_bounds = array<i64: 128, 128>}, {pipeline_mode = #tpu.pipeline_mode<synchronous>, transform_indices = @transform_4, window_bounds = array<i64: 1, 128>}, {pipeline_mode = #tpu.pipeline_mode<synchronous>, transform_indices = @transform_5, window_bounds = array<i64: 128, 128>}, {transform_indices = @transform_6, window_bounds = array<i64: 400, 128>}]} {
    %get3A = arith.constant 0 : index
    %get3A_0 = arith.constant 0 : index
    %get3A_1 = arith.constant 0 : index
    %get3A_2 = vector.load %arg2[%get3A, %get3A_0, %get3A_1] : memref<2x400x128xf32, #tpu.memory_space<vmem>>, vector<1x400x1xf32>
    %get3A_3 = vector.shape_cast %get3A_2 : vector<1x400x1xf32> to vector<400x1xf32>
    %get3A_4 = arith.constant 1 : index
    %get3A_5 = arith.constant 0 : index
    %get3A_6 = arith.constant 0 : index
    %get3A_7 = vector.load %arg2[%get3A_4, %get3A_5, %get3A_6] : memref<2x400x128xf32, #tpu.memory_space<vmem>>, vector<1x400x1xf32>
    %get3A_8 = vector.shape_cast %get3A_7 : vector<1x400x1xf32> to vector<400x1xf32>
    %add3A = arith.addf %get3A_3, %get3A_8 : vector<400x1xf32>
    %get3A_9 = arith.constant 0 : index
    %get3A_10 = arith.constant 0 : index
    %get3A_11 = arith.constant 0 : index
    %get3A_12 = vector.load %arg1[%get3A_9, %get3A_10, %get3A_11] : memref<2x400x128xf32, #tpu.memory_space<vmem>>, vector<1x400x128xf32>
    %get3A_13 = vector.shape_cast %get3A_12 : vector<1x400x128xf32> to vector<400x128xf32>
    %get3A_14 = arith.constant 1 : index
    %get3A_15 = arith.constant 0 : index
    %get3A_16 = arith.constant 0 : index
    %get3A_17 = vector.load %arg1[%get3A_14, %get3A_15, %get3A_16] : memref<2x400x128xf32, #tpu.memory_space<vmem>>, vector<1x400x128xf32>
    %get3A_18 = vector.shape_cast %get3A_17 : vector<1x400x128xf32> to vector<400x128xf32>
    %add3A_19 = arith.addf %get3A_13, %get3A_18 : vector<400x128xf32>
    %max3A = arith.constant 1.000000e+00 : f32
    %max3A_20 = vector.broadcast %max3A : f32 to vector<400x1xf32>
    %max3A_21 = arith.maximumf %add3A, %max3A_20 : vector<400x1xf32>
    %div3A = vector.broadcast %max3A_21 : vector<400x1xf32> to vector<400x128xf32>
    %div3A_22 = arith.divf %add3A_19, %div3A : vector<400x128xf32>
    %get3A_23 = arith.constant 0 : index
    %get3A_24 = arith.constant 0 : index
    %get3A_25 = vector.load %arg4[%get3A_23, %get3A_24] : memref<128x128xf32, #tpu.memory_space<vmem>>, vector<128x128xf32>
    %dot_general3A = arith.constant dense<0.000000e+00> : vector<400x128xf32>
    %dot_general3A_26 = tpu.matmul %div3A_22, %get3A_25, %dot_general3A {dimension_numbers = #tpu.dot_dimension_numbers<[1], [1], [0], [0], [0, 0, 1, 0], [], []>, transpose_lhs_hint = false} : vector<400x128xf32>, vector<128x128xf32>, vector<400x128xf32> -> vector<400x128xf32>
    %get3A_27 = arith.constant 0 : index
    %get3A_28 = arith.constant 0 : index
    %get3A_29 = vector.load %arg3[%get3A_27, %get3A_28] : memref<400x128xf32, #tpu.memory_space<vmem>>, vector<400x128xf32>
    %get3A_30 = arith.constant 0 : index
    %get3A_31 = arith.constant 0 : index
    %get3A_32 = vector.load %arg6[%get3A_30, %get3A_31] : memref<128x128xf32, #tpu.memory_space<vmem>>, vector<128x128xf32>
    %dot_general3A_33 = arith.constant dense<0.000000e+00> : vector<400x128xf32>
    %dot_general3A_34 = tpu.matmul %get3A_29, %get3A_32, %dot_general3A_33 {dimension_numbers = #tpu.dot_dimension_numbers<[1], [1], [0], [0], [0, 0, 1, 0], [], []>, transpose_lhs_hint = false} : vector<400x128xf32>, vector<128x128xf32>, vector<400x128xf32> -> vector<400x128xf32>
    %add3A_35 = arith.addf %dot_general3A_26, %dot_general3A_34 : vector<400x128xf32>
    %get3A_36 = arith.constant 0 : index
    %get3A_37 = arith.constant 0 : index
    %get3A_38 = vector.load %arg5[%get3A_36, %get3A_37] : memref<1x128xf32, #tpu.memory_space<vmem>>, vector<1x128xf32>
    %add3A_39 = vector.broadcast %get3A_38 : vector<1x128xf32> to vector<400x128xf32>
    %add3A_40 = arith.addf %add3A_35, %add3A_39 : vector<400x128xf32>
    %max3A_41 = arith.constant 0.000000e+00 : f32
    %max3A_42 = vector.broadcast %max3A_41 : f32 to vector<400x128xf32>
    %max3A_43 = arith.maximumf %add3A_40, %max3A_42 : vector<400x128xf32>
    %swap3A = arith.constant 0 : index
    %swap3A_44 = arith.constant 0 : index
    %swap3A_45 = vector.load %arg7[%swap3A, %swap3A_44] : memref<400x128xf32, #tpu.memory_space<vmem>>, vector<400x128xf32>
    tpu.vector_store %arg7[%swap3A, %swap3A_44], %max3A_43 {strides = array<i32>} : memref<400x128xf32, #tpu.memory_space<vmem>>, vector<400x128xf32>,
    return
  }
  func.func @transform_0(%arg0: i32) -> (i32, i32, i32) {
    %c0_i32 = arith.constant 0 : i32
    %c0_i32_0 = arith.constant 0 : i32
    %c0_i32_1 = arith.constant 0 : i32
    return %c0_i32, %arg0, %c0_i32_0 : i32, i32, i32
  }
  func.func @transform_1(%arg0: i32) -> (i32, i32, i32) {
    %c0_i32 = arith.constant 0 : i32
    %c0_i32_0 = arith.constant 0 : i32
    %c0_i32_1 = arith.constant 0 : i32
    return %c0_i32, %arg0, %c0_i32_0 : i32, i32, i32
  }
  func.func @transform_2(%arg0: i32) -> (i32, i32) {
    %c0_i32 = arith.constant 0 : i32
    %c0_i32_0 = arith.constant 0 : i32
    return %arg0, %c0_i32 : i32, i32
  }
  func.func @transform_3(%arg0: i32) -> (i32, i32) {
    %c0_i32 = arith.constant 0 : i32
    %c0_i32_0 = arith.constant 0 : i32
    %c0_i32_1 = arith.constant 0 : i32
    return %c0_i32, %c0_i32_0 : i32, i32
  }
  func.func @transform_4(%arg0: i32) -> (i32, i32) {
    %c0_i32 = arith.constant 0 : i32
    %c0_i32_0 = arith.constant 0 : i32
    %c0_i32_1 = arith.constant 0 : i32
    return %c0_i32, %c0_i32_0 : i32, i32
  }
  func.func @transform_5(%arg0: i32) -> (i32, i32) {
    %c0_i32 = arith.constant 0 : i32
    %c0_i32_0 = arith.constant 0 : i32
    %c0_i32_1 = arith.constant 0 : i32
    return %c0_i32, %c0_i32_0 : i32, i32
  }
  func.func @transform_6(%arg0: i32) -> (i32, i32) {
    %c0_i32 = arith.constant 0 : i32
    %c0_i32_0 = arith.constant 0 : i32
    return %arg0, %c0_i32 : i32, i32
  }
}

module attributes {stable_mosaic.version = 14 : i64} {
  func.func @body(%arg0: i32, %arg1: memref<2x400x128xf32, #tpu.memory_space<vmem>>, %arg2: memref<2x400x128xf32, #tpu.memory_space<vmem>>, %arg3: memref<400x128xf32, #tpu.memory_space<vmem>>, %arg4: memref<128x128xf32, #tpu.memory_space<vmem>>, %arg5: memref<1x128xf32, #tpu.memory_space<vmem>>, %arg6: memref<128x128xf32, #tpu.memory_space<vmem>>, %arg7: memref<400x128xf32, #tpu.memory_space<vmem>>) attributes {dimension_semantics = [#tpu.dimension_semantics<arbitrary>], iteration_bounds = array<i64: 25>, scalar_prefetch = 0 : i64, scratch_operands = 0 : i64, tpu.core_type = #tpu.core_type<tc>, window_params = [{transform_indices = @transform_0, window_bounds = array<i64: 2, 400, 128>}, {transform_indices = @transform_1, window_bounds = array<i64: 2, 400, 128>}, {transform_indices = @transform_2, window_bounds = array<i64: 400, 128>}, {pipeline_mode = #tpu.pipeline_mode<synchronous>, transform_indices = @transform_3, window_bounds = array<i64: 128, 128>}, {pipeline_mode = #tpu.pipeline_mode<synchronous>, transform_indices = @transform_4, window_bounds = array<i64: 1, 128>}, {pipeline_mode = #tpu.pipeline_mode<synchronous>, transform_indices = @transform_5, window_bounds = array<i64: 128, 128>}, {transform_indices = @transform_6, window_bounds = array<i64: 400, 128>}]} {
    %get3A = arith.constant 0 : index
    %get3A_0 = arith.constant 0 : index
    %get3A_1 = arith.constant 0 : index
    %get3A_2 = vector.load %arg2[%get3A, %get3A_0, %get3A_1] : memref<2x400x128xf32, #tpu.memory_space<vmem>>, vector<1x400x1xf32>
    %get3A_3 = vector.shape_cast %get3A_2 : vector<1x400x1xf32> to vector<400x1xf32>
    %get3A_4 = arith.constant 1 : index
    %get3A_5 = arith.constant 0 : index
    %get3A_6 = arith.constant 0 : index
    %get3A_7 = vector.load %arg2[%get3A_4, %get3A_5, %get3A_6] : memref<2x400x128xf32, #tpu.memory_space<vmem>>, vector<1x400x1xf32>
    %get3A_8 = vector.shape_cast %get3A_7 : vector<1x400x1xf32> to vector<400x1xf32>
    %add3A = arith.addf %get3A_3, %get3A_8 : vector<400x1xf32>
    %get3A_9 = arith.constant 0 : index
    %get3A_10 = arith.constant 0 : index
    %get3A_11 = arith.constant 0 : index
    %get3A_12 = vector.load %arg1[%get3A_9, %get3A_10, %get3A_11] : memref<2x400x128xf32, #tpu.memory_space<vmem>>, vector<1x400x128xf32>
    %get3A_13 = vector.shape_cast %get3A_12 : vector<1x400x128xf32> to vector<400x128xf32>
    %get3A_14 = arith.constant 1 : index
    %get3A_15 = arith.constant 0 : index
    %get3A_16 = arith.constant 0 : index
    %get3A_17 = vector.load %arg1[%get3A_14, %get3A_15, %get3A_16] : memref<2x400x128xf32, #tpu.memory_space<vmem>>, vector<1x400x128xf32>
    %get3A_18 = vector.shape_cast %get3A_17 : vector<1x400x128xf32> to vector<400x128xf32>
    %add3A_19 = arith.addf %get3A_13, %get3A_18 : vector<400x128xf32>
    %max3A = arith.constant 1.000000e+00 : f32
    %max3A_20 = vector.broadcast %max3A : f32 to vector<400x1xf32>
    %max3A_21 = arith.maximumf %add3A, %max3A_20 : vector<400x1xf32>
    %div3A = vector.broadcast %max3A_21 : vector<400x1xf32> to vector<400x128xf32>
    %div3A_22 = arith.divf %add3A_19, %div3A : vector<400x128xf32>
    %get3A_23 = arith.constant 0 : index
    %get3A_24 = arith.constant 0 : index
    %get3A_25 = vector.load %arg4[%get3A_23, %get3A_24] : memref<128x128xf32, #tpu.memory_space<vmem>>, vector<128x128xf32>
    %dot_general3A = arith.constant dense<0.000000e+00> : vector<400x128xf32>
    %dot_general3A_26 = tpu.matmul %div3A_22, %get3A_25, %dot_general3A {dimension_numbers = #tpu.dot_dimension_numbers<[1], [1], [0], [0], [0, 0, 1, 0], [], []>, transpose_lhs_hint = false} : vector<400x128xf32>, vector<128x128xf32>, vector<400x128xf32> -> vector<400x128xf32>
    %get3A_27 = arith.constant 0 : index
    %get3A_28 = arith.constant 0 : index
    %get3A_29 = vector.load %arg3[%get3A_27, %get3A_28] : memref<400x128xf32, #tpu.memory_space<vmem>>, vector<400x128xf32>
    %get3A_30 = arith.constant 0 : index
    %get3A_31 = arith.constant 0 : index
    %get3A_32 = vector.load %arg6[%get3A_30, %get3A_31] : memref<128x128xf32, #tpu.memory_space<vmem>>, vector<128x128xf32>
    %dot_general3A_33 = arith.constant dense<0.000000e+00> : vector<400x128xf32>
    %dot_general3A_34 = tpu.matmul %get3A_29, %get3A_32, %dot_general3A_33 {dimension_numbers = #tpu.dot_dimension_numbers<[1], [1], [0], [0], [0, 0, 1, 0], [], []>, transpose_lhs_hint = false} : vector<400x128xf32>, vector<128x128xf32>, vector<400x128xf32> -> vector<400x128xf32>
    %add3A_35 = arith.addf %dot_general3A_26, %dot_general3A_34 : vector<400x128xf32>
    %get3A_36 = arith.constant 0 : index
    %get3A_37 = arith.constant 0 : index
    %get3A_38 = vector.load %arg5[%get3A_36, %get3A_37] : memref<1x128xf32, #tpu.memory_space<vmem>>, vector<1x128xf32>
    %add3A_39 = vector.broadcast %get3A_38 : vector<1x128xf32> to vector<400x128xf32>
    %add3A_40 = arith.addf %add3A_35, %add3A_39 : vector<400x128xf32>
    %swap3A = arith.constant 0 : index
    %swap3A_41 = arith.constant 0 : index
    %swap3A_42 = vector.load %arg7[%swap3A, %swap3A_41] : memref<400x128xf32, #tpu.memory_space<vmem>>, vector<400x128xf32>
    tpu.vector_store %arg7[%swap3A, %swap3A_41], %add3A_40 {strides = array<i32>} : memref<400x128xf32, #tpu.memory_space<vmem>>, vector<400x128xf32>,
    return
  }
  func.func @transform_0(%arg0: i32) -> (i32, i32, i32) {
    %c0_i32 = arith.constant 0 : i32
    %c0_i32_0 = arith.constant 0 : i32
    %c0_i32_1 = arith.constant 0 : i32
    return %c0_i32, %arg0, %c0_i32_0 : i32, i32, i32
  }
  func.func @transform_1(%arg0: i32) -> (i32, i32, i32) {
    %c0_i32 = arith.constant 0 : i32
    %c0_i32_0 = arith.constant 0 : i32
    %c0_i32_1 = arith.constant 0 : i32
    return %c0_i32, %arg0, %c0_i32_0 : i32, i32, i32
  }
  func.func @transform_2(%arg0: i32) -> (i32, i32) {
    %c0_i32 = arith.constant 0 : i32
    %c0_i32_0 = arith.constant 0 : i32
    return %arg0, %c0_i32 : i32, i32
  }
  func.func @transform_3(%arg0: i32) -> (i32, i32) {
    %c0_i32 = arith.constant 0 : i32
    %c0_i32_0 = arith.constant 0 : i32
    %c0_i32_1 = arith.constant 0 : i32
    return %c0_i32, %c0_i32_0 : i32, i32
  }
  func.func @transform_4(%arg0: i32) -> (i32, i32) {
    %c0_i32 = arith.constant 0 : i32
    %c0_i32_0 = arith.constant 0 : i32
    %c0_i32_1 = arith.constant 0 : i32
    return %c0_i32, %c0_i32_0 : i32, i32
  }
  func.func @transform_5(%arg0: i32) -> (i32, i32) {
    %c0_i32 = arith.constant 0 : i32
    %c0_i32_0 = arith.constant 0 : i32
    %c0_i32_1 = arith.constant 0 : i32
    return %c0_i32, %c0_i32_0 : i32, i32
  }
  func.func @transform_6(%arg0: i32) -> (i32, i32) {
    %c0_i32 = arith.constant 0 : i32
    %c0_i32_0 = arith.constant 0 : i32
    return %arg0, %c0_i32 : i32, i32
  }
}

</mosaic_0001>

<sc_bundles>
// kernel: kernel.12.cloned.1.call-start
scs
__scs_entry_jumppad:
0x0: {  	(pc) =	sbr.rel $0x88, $3  }
0x1: {  	(tag) =	ssettag $0x0;
	lr =	simm.s32 $0x1  }
0x2: {  	[smem:$0x3F96] =	sst lr;
	_ =	strace $0xD0000000  }
0x3: {  	_ = 	snop  }
0x4: {  	_ = 	snop  }
0x5: {  	_ = 	snop  }
0x6: {  	_ = 	snop  }
0x7: {  	_ = 	snop  }
__scs_overlays_trampoline_lowered:
0x8: {  	[smem:$0x3FA5] =	sst s0  }
0x9: {  	[smem:$0x3FA6] =	sst s1  }
0xa: {  	[smem:$0x3FA7] =	sst s2  }
0xb: {  	[smem:$0x3FA8] =	sst s3  }
0xc: {  	[smem:$0x3FA9] =	sst s4  }
0xd: {  	[smem:$0x3FAA] =	sst s5  }
0xe: {  	[smem:$0x3FAB] =	sst s6  }
0xf: {  	[smem:$0x3FAC] =	sst s7  }
0x10: {  	[smem:$0x3FAD] =	sst s8  }
0x11: {  	[smem:$0x3FAE] =	sst s9;
	s0 =	simm.s32 @!p0 $0x0  }
0x12: {  	s1 =	sld [smem:$0x3F94];
	s0 =	simm.s32 @p0 $0x1  }
0x13: {  	[smem:$0x3FAF] =	sst s0;
	s0 =	simm.s32 @!p1 $0x0  }
0x14: {  	s2 =	sld [smem:$0x3F93];
	s0 =	simm.s32 @p1 $0x1  }
0x15: {  	[smem:$0x3FB0] =	sst s0;
	s0 =	simm.s32 @!p2 $0x0  }
0x16: {  	s3 =	sld [smem:$0x3FDB];
	s0 =	simm.s32 @p2 $0x1  }
0x17: {  	s4 =	simm.s32 $0x1BF5;
	[smem:$0x3FB2] =	sst s0  }
0x18: {  	s0 =	sld [smem:$0x3F95];
	_ =	swait.ge [sflag:s4], $0x0  }
0x19: {  	s7 =	sld [smem:$0x3F96]  }
0x1a: {  	s8 =	sadd.s32 $0xFFFFE003, lr  }
0x1b: {  	s9 =	sadd.s32 $0xFFFFFEF7, lr;
	s5 =	simm.s32 $0xFFFFFFFF;
	p2 =	slt.u32 s8, $0xFFFFF086  }
0x1c: {  	p1 =	slt.u32 s9, $0xF7A;
	s5 =	simm.s32 @!p2 $0x0  }
0x1d: {  	s5 =	simm.s32 @p1 $0x1;
	p0 =	seq.s32 s7, s2  }
0x1e: {  	s7 =	smul.u32 @!p0 $0xF7A, s2;
	p2 =	seq.s32 @!p0 s5, $0x0  }
0x1f: {  	s9 =	smul.u32 $0xF7A, s1;
	s8 =	simm.s32 @!p0 $0x1BF5;
	p2 =	por !p2, p0  }
0x20: {  	[sflag:s8] =	ssyncset.s32 @!p0 $0xFFFFF086;
	s6 =	sadd.s32 @!p0 s3, s7;
	s7 =	simm.s32 @!p0 $0x108  }
0x21: {  	s3 =	sadd.s32 s3, s9;
	s6 =	sadd.s32 @!p0 $0x88, s6;
	s7 =	simm.s32 @p2 $0x1082  }
0x22: {  	[simem:s7], [sflag:s8] =	dma.local @!p0 [hbm:s6], $0xF7A  }
0x23: {  	s9 =	sor.u32 $0xD0000000, s2;
	s6 =	simm.s32 $0x108;
	_ =	swait.ge @!p0 [sflag:s8], $0x0  }
0x24: {  	s3 =	sadd.s32 $0x88, s3;
	s6 =	simm.s32 @!p1 $0x1082;
	[sflag:s4] =	ssyncset.s32 $0xFFFFF086  }
0x25: {  	[simem:s6], [sflag:s4] =	dma.local [hbm:s3], $0xF7A  }
0x26: {  	[smem:$0x3F96] =	sst s1;
	(tag) =	ssettag s2;
	_ =	strace s9  }
0x27: {  	s1 =	sld [smem:$0x3FA6]  }
0x28: {  	s2 =	sld [smem:$0x3FA7]  }
0x29: {  	s4 =	sld [smem:$0x3FA9]  }
0x2a: {  	p0 =	seq.s32 s5, $0x0;
	s5 =	sld [smem:$0x3FAA]  }
0x2b: {  	s6 =	sld [smem:$0x3FAB]  }
0x2c: {  	s7 =	sld [smem:$0x3FAC]  }
0x2d: {  	s3 =	simm.s32 $0x108;
	s8 =	sld [smem:$0x3FAD]  }
0x2e: {  	s3 =	simm.s32 @!p0 $0x1082;
	s9 =	sld [smem:$0x3FAE]  }
0x2f: {  	lr =	sadd.s32 s0, s3;
	s0 =	sld [smem:$0x3FA5]  }
0x30: {  	s3 =	sld [smem:$0x3FA8]  }
0x31: {  	[smem:$0x3FB1] =	sst s10  }
0x32: {  	s10 =	sld [smem:$0x3FAF];
	_ =	sdelay $0x3  }
0x33: {  	p0 =	seq.s32 s10, $0x1;
	s10 =	sld [smem:$0x3FB1];
	_ =	sdelay $0x3  }
0x34: {  	[smem:$0x3FB1] =	sst s10  }
0x35: {  	s10 =	sld [smem:$0x3FB0];
	_ =	sdelay $0x3  }
0x36: {  	p1 =	seq.s32 s10, $0x1;
	s10 =	sld [smem:$0x3FB1];
	_ =	sdelay $0x3  }
0x37: {  	[smem:$0x3FB1] =	sst s10  }
0x38: {  	s10 =	sld [smem:$0x3FB2]  }
0x39: {  	_ = 	snop;
	(pc) =	sbr.ind lr, $3  }
0x3a: {  	_ = 	snop  }
0x3b: {  	_ = 	snop  }
0x3c: {  	p2 =	seq.s32 s10, $0x1;
	s10 =	sld [smem:$0x3FB1]  }
0x3d: {  	_ =	shalt  }
0x3e: {  	_ =	shalt  }
0x3f: {  	_ =	shalt  }
0x40: {  	_ =	shalt  }
0x41: {  	_ =	shalt  }
0x42: {  	_ =	shalt  }
0x43: {  	_ =	shalt  }
0x44: {  	_ =	shalt  }
0x45: {  	_ =	shalt  }
0x46: {  	_ =	shalt  }
0x47: {  	_ =	shalt  }
0x48: {  	_ =	shalt  }
0x49: {  	_ =	shalt  }
0x4a: {  	_ =	shalt  }
0x4b: {  	_ =	shalt  }
0x4c: {  	_ =	shalt  }
0x4d: {  	_ =	shalt  }
0x4e: {  	_ =	shalt  }
0x4f: {  	_ =	shalt  }
0x50: {  	_ =	shalt  }
0x51: {  	_ =	shalt  }
0x52: {  	_ =	shalt  }
0x53: {  	_ =	shalt  }
0x54: {  	_ =	shalt  }
0x55: {  	_ =	shalt  }
0x56: {  	_ =	shalt  }
0x57: {  	_ =	shalt  }
0x58: {  	_ =	shalt  }
0x59: {  	_ =	shalt  }
0x5a: {  	_ =	shalt  }
0x5b: {  	_ =	shalt  }
0x5c: {  	_ =	shalt  }
0x5d: {  	_ =	shalt  }
0x5e: {  	_ =	shalt  }
0x5f: {  	_ =	shalt  }
0x60: {  	_ =	shalt  }
0x61: {  	_ =	shalt  }
0x62: {  	_ =	shalt  }
0x63: {  	_ =	shalt  }
0x64: {  	_ =	shalt  }
0x65: {  	_ =	shalt  }
0x66: {  	_ =	shalt  }
0x67: {  	_ =	shalt  }
0x68: {  	_ =	shalt  }
0x69: {  	_ =	shalt  }
0x6a: {  	_ =	shalt  }
0x6b: {  	_ =	shalt  }
0x6c: {  	_ =	shalt  }
0x6d: {  	_ =	shalt  }
0x6e: {  	_ =	shalt  }
0x6f: {  	_ =	shalt  }
0x70: {  	_ =	shalt  }
0x71: {  	_ =	shalt  }
0x72: {  	_ =	shalt  }
0x73: {  	_ =	shalt  }
0x74: {  	_ =	shalt  }
0x75: {  	_ =	shalt  }
0x76: {  	_ =	shalt  }
0x77: {  	_ =	shalt  }
0x78: {  	_ =	shalt  }
0x79: {  	_ =	shalt  }
0x7a: {  	_ =	shalt  }
0x7b: {  	_ =	shalt  }
0x7c: {  	_ =	shalt  }
0x7d: {  	_ =	shalt  }
0x7e: {  	_ =	shalt  }
0x7f: {  	_ =	shalt  }
0x80: {  	_ =	shalt  }
0x81: {  	_ =	shalt  }
0x82: {  	_ =	shalt  }
0x83: {  	_ =	shalt  }
0x84: {  	_ =	shalt  }
0x85: {  	_ =	shalt  }
0x86: {  	_ =	shalt  }
0x87: {  	_ =	shalt  }
.Lfunc_end0:
.L_simem_size_0:
called_computation.1_lowered:
.L_overlay_start_0:
0x88: {  	s2 =	sld [smem:$0x3FD9]  }
0x89: {  	s3 =	sld [smem:$0x3FFE];
	_ =	sdelay $0x1  }
0x8a: {  	s1 =	srdreg.scid  }
0x8b: {  	s0 =	sand.u32 $0x1, s1  }
0x8c: {  	s17 =	sshll.u32 s0, $0xA;
	s2 =	sadd.s32 s3, s2  }
0x8d: {  	s2 =	sadd.s32 s2, s17  }
0x8e: {  	[smem:$0x3FBD] =	sst s2  }
0x8f: {  	_ = 	snop  }
0x90: {  	s2 =	sld [smem:$0x3FC9];
	(tm) =	ssettm $0x1  }
0x91: {  	s18 =	sld [smem:$0x3FFB];
	_ =	sdelay $0x3  }
0x92: {  	_ =	strace s18  }
0x93: {  	s3 =	sld [smem:$0x3FFC];
	_ =	sdelay $0x3  }
0x94: {  	_ =	strace s3  }
0x95: {  	s3 =	sld [smem:$0x3FFD];
	_ =	sdelay $0x3  }
0x96: {  	_ =	strace s3  }
0x97: {  	_ =	strace $0x8FFFFFFF  }
0x98: {  	s19 =	sld [smem:$0x3FDB];
	_ =	sdelay $0x1  }
0x99: {  	s4 =	simm.s32 $_scs_section_size  }
0x9a: {  	s5 =	simm.s32 $_size__tile_overlayer_lowered;
	s6 =	simm.s32 $_tile_overlayer_lowered  }
0x9b: {  	s22 =	simm.s32 $0x1BFF;
	s21 =	sshll.u32 s6, $0x1;
	s3 =	sadd.s32 s4, s19  }
0x9c: {  	s7 =	simm.s32 $0x0;
	s20 =	sshll.u32 s5, $0x1;
	s5 =	sadd.s32 s21, s3  }
0x9d: {  	[timem:s7], [sflag:s22] =	dma.local [hbm:s5], s20  }
0x9e: {  	_ =	swait.ge [sflag:s22], s20  }
0x9f: {  	s4 =	ssub.s32 $0x0, s20;
	[sflag:s22] =	ssyncset.done $0x0  }
0xa0: {  	[sflag:s22] =	ssyncadd.s32 s4;
	_ =	sdelay $0x1  }
0xa1: {  	s23 =	simm.s32 $0x1B8B  }
0xa2: {  	_ =	swait.ge [sflag:s23], $0x1  }
0xa3: {  	[sflag:s23] =	ssyncset.done $0x0  }
0xa4: {  	s25 =	simm.s32 $0x1B8E;
	s24 =	sld [smem:$0x3FFE];
	[sflag:s23] =	ssyncadd.s32 $0xFFFFFFFF  }
0xa5: {  	s26 =	simm.s32 $execute0_lowered;
	[smem:$0x3FD2] =	sst s25  }
0xa6: {  	s5 =	sshll.u32 s26, $0x1;
	_ =	strace $0x80000046;
	[dreg:$0x1] =	wrdreg $0xFFFFFFFF  }
0xa7: {  	s28 =	simm.s32 $_size_execute0_lowered;
	s3 =	sadd.s32 s3, s5;
	[dreg:$0x0] =	wrdreg $0x0  }
0xa8: {  	s5 =	sshll.u32 s28, $0x1;
	[dreg:$0x2] =	wrdreg s3  }
0xa9: {  	[dreg:$0x3] =	wrdreg s5  }
0xaa: {  	[dreg:$0x4] =	wrdreg $0xC0  }
0xab: {  	_ =	task [dreg:s7], $0x5FFFF  }
0xac: {  	[dreg:$0x1] =	wrdreg $0xFFFFFFFF  }
0xad: {  	[dreg:$0x0] =	wrdreg $0x60  }
0xae: {  	[dreg:$0x2] =	wrdreg s2  }
0xaf: {  	[dreg:$0x3] =	wrdreg s24  }
0xb0: {  	[dreg:$0x4] =	wrdreg $0xA0000  }
0xb1: {  	[dreg:$0x5] =	wrdreg $0xA  }
0xb2: {  	_ =	task.clear_ibuf [dreg:s7], $0x6FFFF;
	_ =	strace $0x90000046  }
0xb3: {  	s29 =	simm.s32 $0xA;
	_ =	strace $0x80000048  }
0xb4: {  	_ =	swait.ge [sflag:s29], $0x1  }
0xb5: {  	[sflag:s29] =	ssyncadd.s32 $0xFFFFFFFF  }
0xb6: {  	_ =	strace $0x90000048  }
0xb7: {  	_ =	sfence  }
0xb8: {  	s30 =	sld [smem:$0x0];
	_ =	sdelay $0x2  }
0xb9: {  	s31 =	sshll.u32 s1, $0xD;
	s1 =	sshrl.u32 s1, $0x2  }
0xba: {  	s3 =	sand.u32 $0x4000, s31;
	s1 =	sadd.s32 s1, s30  }
0xbb: {  	s0 =	sor.u32 s3, s0;
	s1 =	sshll.u32 s1, $0x11  }
0xbc: {  	s0 =	sor.u32 s1, s0  }
0xbd: {  	s0 =	sadd.s32 $0x8F2B, s0  }
0xbe: {  	[sflag:s0] =	ssyncadd.remote.s32 $0x1  }
0xbf: {  	_ =	sfence.sel $0xFFFF  }
0xc0: {  	[dreg:$0x0] =	wrdreg $0xFFFFFFFF;
	(pc) =	sbr.abs _section_cstart, $3  }
0xc1: {  	[dreg:$0x1] =	wrdreg $0xFFFFFFFF  }
0xc2: {  	_ =	task.clear_ibuf [dreg:s7], $0x2FFFF;
	_ =	strace $0x9FFFFFFF  }
0xc3: {  	(tm) =	ssettm $0x7FFFFFFF  }
tec
execute0_lowered:
.L_overlay_start_1:
0x0: {  	(tag) =	ssettag $0x1  }
0x1: {  	s1 =	rddreg [dreg:$0x0]  }
0x2: {  	s0 =	srdreg.scid;
	s7 =	rddreg [dreg:$0x1]  }
0x3: {  	s3 =	rddreg [dreg:$0x2];
	s4 =	simm.s32 $0x0;
	s13 =	simm.s32 $0x80  }
0x4: {  	s14 =	simm.s32 $0x6000;
	s6 =	sand.u32 $0x1, s0;
	s0 =	stileid.u32  }
0x5: {  	[smem:$0x7FF] =	sst s4;
	s2 =	sshll.u32 s6, $0x4;
	s10 =	smul.u32 $0x27800, s6  }
0x6: {  	s9 =	ssub.s32 $0x2, s6;
	p0 =	seq.s32 s6, $0x0;
	s12 =	smul.u32 $0x4F000, s0  }
0x7: {  	s6 =	simm.s32 $0x5F;
	s16 =	smul.u32 $0x2780, s0;
	s31 =	sshll.u32 s0, $0x6  }
0x8: {  	s5 =	sor.u32 s0, s2;
	s2 =	rddreg [dreg:$0x3];
	_ =	strace $0x80000047  }
0x9: {  	s11 =	sshrl.u32 s9, $0x1;
	s6 =	simm.s32 @!p0 $0x3E;
	s5 =	smul.u32 $0x600, s5  }
0xa: {  	s10 =	sadd.s32 s10, s7;
	s9 =	ssub.s32 s9, s11;
	s30 =	sshrl.u32 s12, $0x2  }
0xb: {  	s11 =	sor.u32 $0x1C01, s31;
	s12 =	sadd.s32 s30, s3;
	s15 =	sadd.s32 $0x1D800, s10  }
0xc: {  	s9 =	smax.u32 s9, $0x1;
	s10 =	simm.s32 $0x1;
	s8 =	sadd.s32 s5, s7  }
0xd: {  	s5 =	sadd.s32 $0x1B000, s7;
	s12 =	sshrl.u32 s12, $0x3;
	s15 =	sadd.s32 s16, s15  }
0xe: {  	s16 =	simm.s32 $0x0;
	s7 =	sadd.s32 $0xF000, s8;
	s8 =	sadd.s32 $0x3000, s8  }
.LBB2_1:
0xf: {  	[tilespmem:s4], [sflag:$0x1] =	stream.linear.gather [hbm4b:s7+s4], $0x2F80, $0x38;
	[tilespmem:$0x1DC00] =	vst v63  }
0x10: {  	_ =	swait.ge [sflag:s10], $0x2F80  }
0x11: {  	[sflag:s10] =	ssyncset.done $0x0  }
0x12: {  	s17 =	simm.s32 $0x3000;
	[sflag:s10] =	ssyncadd.s32 $0xFFFFD080  }
0x13: {  	[tilespmem:s17], [sflag:$0x1] =	stream.linear.gather [hbm4b:s8+s4], $0x2F80, $0x38;
	[tilespmem:$0x1DC00] =	vst v63  }
0x14: {  	_ =	swait.ge [sflag:s10], $0x2F80  }
0x15: {  	[sflag:s10] =	ssyncset.done $0x0  }
0x16: {  	[sflag:s10] =	ssyncadd.s32 $0xFFFFD080  }
0x17: {  	[spmem:s12], [sflag:s11] =	dma.local [hbm:s5], $0x2780  }
0x18: {  	_ =	swait.ge [sflag:s10], $0x2780  }
0x19: {  	[sflag:s10] =	ssyncset.done $0x0  }
0x1a: {  	[sflag:s10] =	ssyncadd.s32 $0xFFFFD880  }
0x1b: {  	[bflag:$0x0] =	sbarrier.arrive $0xFFFF  }
0x1c: {  	[tilespmem:s14], [sflag:$0x1] =	stream.indirect.gather [hbm4b:s1+s13], $0x80, s4, s13, $0xb8;
	[tilespmem:$0x1DC00] =	vst v63  }
0x1d: {  	p0 =	sne.s32 s6, $0x1;
	_ =	swait.ge [sflag:s10], $0x4000  }
.Ltmp0:
0x1e: {  	[sflag:s10] =	ssyncset.done $0x0;
	(pc) =	sbr.rel @!p0 .LBB2_3-.Ltmp0, $4  }
0x1f: {  	[sflag:s10] =	ssyncadd.s32 $0xFFFFC000  }
0x20: {  	[spmem:s3] =	stream.indirect.scatter.add.f32 [tilespmem:s14], [sflag:$0x1], $0x80, s17, s13, $0xb8;
	[tilespmem:$0x1DC00] =	vst v63  }
0x21: {  	_ =	swait.ge [sflag:s10], $0x4000  }
0x22: {  	s18 =	sadd.s32 $0xFFFFFFFF, s6;
	s19 =	simm.s32 $0x0;
	[sflag:s10] =	ssyncset.done $0x0  }
.LBB2_2:
0x23: {  	[sflag:s10] =	ssyncadd.s32 $0xFFFFC000;
	s19 =	sadd.s32 $0x80, s19;
	s17 =	sadd.s32 $0x80, s17  }
0x24: {  	[tilespmem:s14], [sflag:$0x1] =	stream.indirect.gather [hbm4b:s1+s13], $0x80, s19, s13, $0xb8;
	[tilespmem:$0x1DC00] =	vst v63  }
0x25: {  	p0 =	sne.s32 s18, $0x1;
	s18 =	sadd.s32 $0xFFFFFFFF, s18;
	_ =	swait.ge [sflag:s10], $0x4000  }
.Ltmp1:
0x26: {  	[sflag:s10] =	ssyncset.done $0x0;
	(pc) =	sbr.rel @p0 .LBB2_2-.Ltmp1, $4  }
0x27: {  	[sflag:s10] =	ssyncadd.s32 $0xFFFFC000  }
0x28: {  	[spmem:s3] =	stream.indirect.scatter.add.f32 [tilespmem:s14], [sflag:$0x1], $0x80, s17, s13, $0xb8;
	[tilespmem:$0x1DC00] =	vst v63  }
0x29: {  	_ =	swait.ge [sflag:s10], $0x4000  }
0x2a: {  	[sflag:s10] =	ssyncset.done $0x0  }
.LBB2_3:
0x2b: {  	s16 =	sadd.s32 $0x1, s16  }
0x2c: {  	[sflag:s10] =	ssyncadd.s32 $0xFFFFC000;
	p0 =	sne.s32 s16, s9  }
.Ltmp2:
0x2d: {  	[bflag:$0x0] =	sbarrier.arrive $0xFFFF;
	(pc) =	sbr.rel @p0 .LBB2_1-.Ltmp2, $4  }
0x2e: {  	[hbm:s15], [sflag:s11] =	dma.local [spmem:s12], $0x2780  }
0x2f: {  	_ =	swait.ge [sflag:s10], $0x2780  }
0x30: {  	[sflag:s10] =	ssyncset.done $0x0  }
0x31: {  	[sflag:s10] =	ssyncadd.s32 $0xFFFFD880  }
0x32: {  	_ =	sfence.sel $0x180000  }
0x33: {  	[bflag:$0x0] =	sbarrier.arrive $0xFFFF  }
0x34: {  	p0 =	sne.s32 s0, $0x0;
	_ =	strace $0x90000047  }
0x35: {  	s0 =	sadd.s32 @!p0 $0x100000, s2;
	[bflag:$0x2] =	sbarrier.arrive $0xFFFF  }
0x36: {  	[sflag:s0] =	ssyncadd.tile.s32 @!p0 $0x1;
	_ =	shalt  }
.Lfunc_end2:
_tile_overlayer_lowered:
.L_overlay_start_2:
0x37: {  	(tag) =	ssettag $0x2  }
0x38: {  	s0 =	rddreg [dreg:$0x0];
	s2 =	stileid.u32  }
0x39: {  	s1 =	rddreg [dreg:$0x1];
	p0 =	sne.s32 s2, $0x0  }
0x3a: {  	s3 =	rddreg [dreg:$0x2];
	[bflag:$0x3] =	sbarrier.arrive $0xFFFF;
	s2 =	simm.s32 @!p0 $0x1C01  }
0x3b: {  	[timem:s3], [sflag:s2] =	dma.local @!p0 [hbm:s0], s1  }
0x3c: {  	s0 =	simm.s32 @!p0 $0x1  }
0x3d: {  	_ =	swait.ge @!p0 [sflag:s0], s1  }
0x3e: {  	s1 =	ssub.s32 @!p0 $0x0, s1;
	[sflag:s0] =	ssyncset.done @!p0 $0x0  }
0x3f: {  	[sflag:s0] =	ssyncadd.s32 @!p0 s1  }
0x40: {  	[bflag:$0x3] =	sbarrier.arrive $0xFFFF  }
0x41: {  	_ =	shalt  }

// kernel: kernel.15.cloned.1.call-start
scs
__scs_entry_jumppad:
0x0: {  	(pc) =	sbr.rel $0x88, $3  }
0x1: {  	(tag) =	ssettag $0x0;
	lr =	simm.s32 $0x1  }
0x2: {  	[smem:$0x3F96] =	sst lr;
	_ =	strace $0xD0000000  }
0x3: {  	_ = 	snop  }
0x4: {  	_ = 	snop  }
0x5: {  	_ = 	snop  }
0x6: {  	_ = 	snop  }
0x7: {  	_ = 	snop  }
__scs_overlays_trampoline_lowered:
0x8: {  	[smem:$0x3FA5] =	sst s0  }
0x9: {  	[smem:$0x3FA6] =	sst s1  }
0xa: {  	[smem:$0x3FA7] =	sst s2  }
0xb: {  	[smem:$0x3FA8] =	sst s3  }
0xc: {  	[smem:$0x3FA9] =	sst s4  }
0xd: {  	[smem:$0x3FAA] =	sst s5  }
0xe: {  	[smem:$0x3FAB] =	sst s6  }
0xf: {  	[smem:$0x3FAC] =	sst s7  }
0x10: {  	[smem:$0x3FAD] =	sst s8  }
0x11: {  	[smem:$0x3FAE] =	sst s9;
	s0 =	simm.s32 @!p0 $0x0  }
0x12: {  	s1 =	sld [smem:$0x3F94];
	s0 =	simm.s32 @p0 $0x1  }
0x13: {  	[smem:$0x3FAF] =	sst s0;
	s0 =	simm.s32 @!p1 $0x0  }
0x14: {  	s2 =	sld [smem:$0x3F93];
	s0 =	simm.s32 @p1 $0x1  }
0x15: {  	[smem:$0x3FB0] =	sst s0;
	s0 =	simm.s32 @!p2 $0x0  }
0x16: {  	s3 =	sld [smem:$0x3FDB];
	s0 =	simm.s32 @p2 $0x1  }
0x17: {  	s4 =	simm.s32 $0x1BF5;
	[smem:$0x3FB2] =	sst s0  }
0x18: {  	s0 =	sld [smem:$0x3F95];
	_ =	swait.ge [sflag:s4], $0x0  }
0x19: {  	s7 =	sld [smem:$0x3F96]  }
0x1a: {  	s8 =	sadd.s32 $0xFFFFE003, lr  }
0x1b: {  	s9 =	sadd.s32 $0xFFFFFEF7, lr;
	s5 =	simm.s32 $0xFFFFFFFF;
	p2 =	slt.u32 s8, $0xFFFFF086  }
0x1c: {  	p1 =	slt.u32 s9, $0xF7A;
	s5 =	simm.s32 @!p2 $0x0  }
0x1d: {  	s5 =	simm.s32 @p1 $0x1;
	p0 =	seq.s32 s7, s2  }
0x1e: {  	s7 =	smul.u32 @!p0 $0xF7A, s2;
	p2 =	seq.s32 @!p0 s5, $0x0  }
0x1f: {  	s9 =	smul.u32 $0xF7A, s1;
	s8 =	simm.s32 @!p0 $0x1BF5;
	p2 =	por !p2, p0  }
0x20: {  	[sflag:s8] =	ssyncset.s32 @!p0 $0xFFFFF086;
	s6 =	sadd.s32 @!p0 s3, s7;
	s7 =	simm.s32 @!p0 $0x108  }
0x21: {  	s3 =	sadd.s32 s3, s9;
	s6 =	sadd.s32 @!p0 $0x88, s6;
	s7 =	simm.s32 @p2 $0x1082  }
0x22: {  	[simem:s7], [sflag:s8] =	dma.local @!p0 [hbm:s6], $0xF7A  }
0x23: {  	s9 =	sor.u32 $0xD0000000, s2;
	s6 =	simm.s32 $0x108;
	_ =	swait.ge @!p0 [sflag:s8], $0x0  }
0x24: {  	s3 =	sadd.s32 $0x88, s3;
	s6 =	simm.s32 @!p1 $0x1082;
	[sflag:s4] =	ssyncset.s32 $0xFFFFF086  }
0x25: {  	[simem:s6], [sflag:s4] =	dma.local [hbm:s3], $0xF7A  }
0x26: {  	[smem:$0x3F96] =	sst s1;
	(tag) =	ssettag s2;
	_ =	strace s9  }
0x27: {  	s1 =	sld [smem:$0x3FA6]  }
0x28: {  	s2 =	sld [smem:$0x3FA7]  }
0x29: {  	s4 =	sld [smem:$0x3FA9]  }
0x2a: {  	p0 =	seq.s32 s5, $0x0;
	s5 =	sld [smem:$0x3FAA]  }
0x2b: {  	s6 =	sld [smem:$0x3FAB]  }
0x2c: {  	s7 =	sld [smem:$0x3FAC]  }
0x2d: {  	s3 =	simm.s32 $0x108;
	s8 =	sld [smem:$0x3FAD]  }
0x2e: {  	s3 =	simm.s32 @!p0 $0x1082;
	s9 =	sld [smem:$0x3FAE]  }
0x2f: {  	lr =	sadd.s32 s0, s3;
	s0 =	sld [smem:$0x3FA5]  }
0x30: {  	s3 =	sld [smem:$0x3FA8]  }
0x31: {  	[smem:$0x3FB1] =	sst s10  }
0x32: {  	s10 =	sld [smem:$0x3FAF];
	_ =	sdelay $0x3  }
0x33: {  	p0 =	seq.s32 s10, $0x1;
	s10 =	sld [smem:$0x3FB1];
	_ =	sdelay $0x3  }
0x34: {  	[smem:$0x3FB1] =	sst s10  }
0x35: {  	s10 =	sld [smem:$0x3FB0];
	_ =	sdelay $0x3  }
0x36: {  	p1 =	seq.s32 s10, $0x1;
	s10 =	sld [smem:$0x3FB1];
	_ =	sdelay $0x3  }
0x37: {  	[smem:$0x3FB1] =	sst s10  }
0x38: {  	s10 =	sld [smem:$0x3FB2]  }
0x39: {  	_ = 	snop;
	(pc) =	sbr.ind lr, $3  }
0x3a: {  	_ = 	snop  }
0x3b: {  	_ = 	snop  }
0x3c: {  	p2 =	seq.s32 s10, $0x1;
	s10 =	sld [smem:$0x3FB1]  }
0x3d: {  	_ =	shalt  }
0x3e: {  	_ =	shalt  }
0x3f: {  	_ =	shalt  }
0x40: {  	_ =	shalt  }
0x41: {  	_ =	shalt  }
0x42: {  	_ =	shalt  }
0x43: {  	_ =	shalt  }
0x44: {  	_ =	shalt  }
0x45: {  	_ =	shalt  }
0x46: {  	_ =	shalt  }
0x47: {  	_ =	shalt  }
0x48: {  	_ =	shalt  }
0x49: {  	_ =	shalt  }
0x4a: {  	_ =	shalt  }
0x4b: {  	_ =	shalt  }
0x4c: {  	_ =	shalt  }
0x4d: {  	_ =	shalt  }
0x4e: {  	_ =	shalt  }
0x4f: {  	_ =	shalt  }
0x50: {  	_ =	shalt  }
0x51: {  	_ =	shalt  }
0x52: {  	_ =	shalt  }
0x53: {  	_ =	shalt  }
0x54: {  	_ =	shalt  }
0x55: {  	_ =	shalt  }
0x56: {  	_ =	shalt  }
0x57: {  	_ =	shalt  }
0x58: {  	_ =	shalt  }
0x59: {  	_ =	shalt  }
0x5a: {  	_ =	shalt  }
0x5b: {  	_ =	shalt  }
0x5c: {  	_ =	shalt  }
0x5d: {  	_ =	shalt  }
0x5e: {  	_ =	shalt  }
0x5f: {  	_ =	shalt  }
0x60: {  	_ =	shalt  }
0x61: {  	_ =	shalt  }
0x62: {  	_ =	shalt  }
0x63: {  	_ =	shalt  }
0x64: {  	_ =	shalt  }
0x65: {  	_ =	shalt  }
0x66: {  	_ =	shalt  }
0x67: {  	_ =	shalt  }
0x68: {  	_ =	shalt  }
0x69: {  	_ =	shalt  }
0x6a: {  	_ =	shalt  }
0x6b: {  	_ =	shalt  }
0x6c: {  	_ =	shalt  }
0x6d: {  	_ =	shalt  }
0x6e: {  	_ =	shalt  }
0x6f: {  	_ =	shalt  }
0x70: {  	_ =	shalt  }
0x71: {  	_ =	shalt  }
0x72: {  	_ =	shalt  }
0x73: {  	_ =	shalt  }
0x74: {  	_ =	shalt  }
0x75: {  	_ =	shalt  }
0x76: {  	_ =	shalt  }
0x77: {  	_ =	shalt  }
0x78: {  	_ =	shalt  }
0x79: {  	_ =	shalt  }
0x7a: {  	_ =	shalt  }
0x7b: {  	_ =	shalt  }
0x7c: {  	_ =	shalt  }
0x7d: {  	_ =	shalt  }
0x7e: {  	_ =	shalt  }
0x7f: {  	_ =	shalt  }
0x80: {  	_ =	shalt  }
0x81: {  	_ =	shalt  }
0x82: {  	_ =	shalt  }
0x83: {  	_ =	shalt  }
0x84: {  	_ =	shalt  }
0x85: {  	_ =	shalt  }
0x86: {  	_ =	shalt  }
0x87: {  	_ =	shalt  }
.Lfunc_end0:
.L_simem_size_0:
called_computation.2_lowered:
.L_overlay_start_0:
0x88: {  	s2 =	sld [smem:$0x3FD9]  }
0x89: {  	s3 =	sld [smem:$0x3FFE];
	_ =	sdelay $0x1  }
0x8a: {  	s1 =	srdreg.scid  }
0x8b: {  	s0 =	sand.u32 $0x1, s1  }
0x8c: {  	s17 =	sshll.u32 s0, $0xA;
	s2 =	sadd.s32 s3, s2  }
0x8d: {  	s2 =	sadd.s32 s2, s17  }
0x8e: {  	[smem:$0x3FBD] =	sst s2  }
0x8f: {  	_ = 	snop  }
0x90: {  	s2 =	sld [smem:$0x3FD0];
	(tm) =	ssettm $0x1  }
0x91: {  	s18 =	sld [smem:$0x3FFB];
	_ =	sdelay $0x3  }
0x92: {  	_ =	strace s18  }
0x93: {  	s3 =	sld [smem:$0x3FFC];
	_ =	sdelay $0x3  }
0x94: {  	_ =	strace s3  }
0x95: {  	s3 =	sld [smem:$0x3FFD];
	_ =	sdelay $0x3  }
0x96: {  	_ =	strace s3  }
0x97: {  	_ =	strace $0x8FFFFFFF  }
0x98: {  	s19 =	sld [smem:$0x3FDB];
	_ =	sdelay $0x1  }
0x99: {  	s4 =	simm.s32 $_scs_section_size  }
0x9a: {  	s5 =	simm.s32 $_size__tile_overlayer_lowered;
	s6 =	simm.s32 $_tile_overlayer_lowered  }
0x9b: {  	s22 =	simm.s32 $0x1BFF;
	s21 =	sshll.u32 s6, $0x1;
	s3 =	sadd.s32 s4, s19  }
0x9c: {  	s7 =	simm.s32 $0x0;
	s20 =	sshll.u32 s5, $0x1;
	s5 =	sadd.s32 s21, s3  }
0x9d: {  	[timem:s7], [sflag:s22] =	dma.local [hbm:s5], s20  }
0x9e: {  	_ =	swait.ge [sflag:s22], s20  }
0x9f: {  	s4 =	ssub.s32 $0x0, s20;
	[sflag:s22] =	ssyncset.done $0x0  }
0xa0: {  	[sflag:s22] =	ssyncadd.s32 s4;
	_ =	sdelay $0x1  }
0xa1: {  	s23 =	simm.s32 $0x1B8B  }
0xa2: {  	_ =	swait.ge [sflag:s23], $0x1  }
0xa3: {  	[sflag:s23] =	ssyncset.done $0x0  }
0xa4: {  	s25 =	simm.s32 $0x1B8E;
	s24 =	sld [smem:$0x3FFE];
	[sflag:s23] =	ssyncadd.s32 $0xFFFFFFFF  }
0xa5: {  	s26 =	simm.s32 $execute0_lowered;
	[smem:$0x3FD2] =	sst s25  }
0xa6: {  	s5 =	sshll.u32 s26, $0x1;
	_ =	strace $0x8000004C;
	[dreg:$0x1] =	wrdreg $0xFFFFFFFF  }
0xa7: {  	s28 =	simm.s32 $_size_execute0_lowered;
	s3 =	sadd.s32 s3, s5;
	[dreg:$0x0] =	wrdreg $0x0  }
0xa8: {  	s5 =	sshll.u32 s28, $0x1;
	[dreg:$0x2] =	wrdreg s3  }
0xa9: {  	[dreg:$0x3] =	wrdreg s5  }
0xaa: {  	[dreg:$0x4] =	wrdreg $0xC0  }
0xab: {  	_ =	task [dreg:s7], $0x5FFFF  }
0xac: {  	[dreg:$0x1] =	wrdreg $0xFFFFFFFF  }
0xad: {  	[dreg:$0x0] =	wrdreg $0x60  }
0xae: {  	[dreg:$0x2] =	wrdreg s2  }
0xaf: {  	[dreg:$0x3] =	wrdreg s24  }
0xb0: {  	[dreg:$0x4] =	wrdreg $0xA0000  }
0xb1: {  	[dreg:$0x5] =	wrdreg $0x9  }
0xb2: {  	_ =	task.clear_ibuf [dreg:s7], $0x6FFFF;
	_ =	strace $0x9000004C  }
0xb3: {  	s29 =	simm.s32 $0x9;
	_ =	strace $0x8000004E  }
0xb4: {  	_ =	swait.ge [sflag:s29], $0x1  }
0xb5: {  	[sflag:s29] =	ssyncadd.s32 $0xFFFFFFFF  }
0xb6: {  	_ =	strace $0x9000004E  }
0xb7: {  	_ =	sfence  }
0xb8: {  	s30 =	sld [smem:$0x0];
	_ =	sdelay $0x2  }
0xb9: {  	s31 =	sshll.u32 s1, $0xD;
	s1 =	sshrl.u32 s1, $0x2  }
0xba: {  	s3 =	sand.u32 $0x4000, s31;
	s1 =	sadd.s32 s1, s30  }
0xbb: {  	s0 =	sor.u32 s3, s0;
	s1 =	sshll.u32 s1, $0x11  }
0xbc: {  	s0 =	sor.u32 s1, s0  }
0xbd: {  	s0 =	sadd.s32 $0x8F2B, s0  }
0xbe: {  	[sflag:s0] =	ssyncadd.remote.s32 $0x1  }
0xbf: {  	_ =	sfence.sel $0xFFFF  }
0xc0: {  	[dreg:$0x0] =	wrdreg $0xFFFFFFFF;
	(pc) =	sbr.abs _section_cstart, $3  }
0xc1: {  	[dreg:$0x1] =	wrdreg $0xFFFFFFFF  }
0xc2: {  	_ =	task.clear_ibuf [dreg:s7], $0x2FFFF;
	_ =	strace $0x9FFFFFFF  }
0xc3: {  	(tm) =	ssettm $0x7FFFFFFF  }
tec
execute0_lowered:
.L_overlay_start_1:
0x0: {  	(tag) =	ssettag $0x1  }
0x1: {  	s1 =	rddreg [dreg:$0x0]  }
0x2: {  	s0 =	srdreg.scid;
	s7 =	rddreg [dreg:$0x1]  }
0x3: {  	s3 =	rddreg [dreg:$0x2];
	s4 =	simm.s32 $0x0;
	s13 =	simm.s32 $0x80  }
0x4: {  	s14 =	simm.s32 $0x6000;
	s6 =	sand.u32 $0x1, s0;
	s0 =	stileid.u32  }
0x5: {  	[smem:$0x7FF] =	sst s4;
	s2 =	sshll.u32 s6, $0x4;
	s10 =	smul.u32 $0x27800, s6  }
0x6: {  	s9 =	ssub.s32 $0x2, s6;
	p0 =	seq.s32 s6, $0x0;
	s12 =	smul.u32 $0x4F000, s0  }
0x7: {  	s6 =	simm.s32 $0x5F;
	s16 =	smul.u32 $0x2780, s0;
	s31 =	sshll.u32 s0, $0x6  }
0x8: {  	s5 =	sor.u32 s0, s2;
	s2 =	rddreg [dreg:$0x3];
	_ =	strace $0x8000004D  }
0x9: {  	s11 =	sshrl.u32 s9, $0x1;
	s6 =	simm.s32 @!p0 $0x3E;
	s5 =	smul.u32 $0x600, s5  }
0xa: {  	s10 =	sadd.s32 s10, s7;
	s9 =	ssub.s32 s9, s11;
	s30 =	sshrl.u32 s12, $0x2  }
0xb: {  	s11 =	sor.u32 $0x1C01, s31;
	s12 =	sadd.s32 s30, s3;
	s15 =	sadd.s32 $0x6BA00, s10  }
0xc: {  	s9 =	smax.u32 s9, $0x1;
	s10 =	simm.s32 $0x1;
	s8 =	sadd.s32 s5, s7  }
0xd: {  	s5 =	sadd.s32 $0x1B000, s7;
	s12 =	sshrl.u32 s12, $0x3;
	s15 =	sadd.s32 s16, s15  }
0xe: {  	s16 =	simm.s32 $0x0;
	s7 =	sadd.s32 $0xF000, s8;
	s8 =	sadd.s32 $0x3000, s8  }
.LBB2_1:
0xf: {  	[tilespmem:s4], [sflag:$0x1] =	stream.linear.gather [hbm4b:s7+s4], $0x2F80, $0x38;
	[tilespmem:$0x1DC00] =	vst v63  }
0x10: {  	_ =	swait.ge [sflag:s10], $0x2F80  }
0x11: {  	[sflag:s10] =	ssyncset.done $0x0  }
0x12: {  	s17 =	simm.s32 $0x3000;
	[sflag:s10] =	ssyncadd.s32 $0xFFFFD080  }
0x13: {  	[tilespmem:s17], [sflag:$0x1] =	stream.linear.gather [hbm4b:s8+s4], $0x2F80, $0x38;
	[tilespmem:$0x1DC00] =	vst v63  }
0x14: {  	_ =	swait.ge [sflag:s10], $0x2F80  }
0x15: {  	[sflag:s10] =	ssyncset.done $0x0  }
0x16: {  	[sflag:s10] =	ssyncadd.s32 $0xFFFFD080  }
0x17: {  	[spmem:s12], [sflag:s11] =	dma.local [hbm:s5], $0x2780  }
0x18: {  	_ =	swait.ge [sflag:s10], $0x2780  }
0x19: {  	[sflag:s10] =	ssyncset.done $0x0  }
0x1a: {  	[sflag:s10] =	ssyncadd.s32 $0xFFFFD880  }
0x1b: {  	[bflag:$0x0] =	sbarrier.arrive $0xFFFF  }
0x1c: {  	[tilespmem:s14], [sflag:$0x1] =	stream.indirect.gather [hbm4b:s1+s13], $0x80, s4, s13, $0xb8;
	[tilespmem:$0x1DC00] =	vst v63  }
0x1d: {  	p0 =	sne.s32 s6, $0x1;
	_ =	swait.ge [sflag:s10], $0x4000  }
.Ltmp0:
0x1e: {  	[sflag:s10] =	ssyncset.done $0x0;
	(pc) =	sbr.rel @!p0 .LBB2_3-.Ltmp0, $4  }
0x1f: {  	[sflag:s10] =	ssyncadd.s32 $0xFFFFC000  }
0x20: {  	[spmem:s3] =	stream.indirect.scatter.add.f32 [tilespmem:s14], [sflag:$0x1], $0x80, s17, s13, $0xb8;
	[tilespmem:$0x1DC00] =	vst v63  }
0x21: {  	_ =	swait.ge [sflag:s10], $0x4000  }
0x22: {  	s18 =	sadd.s32 $0xFFFFFFFF, s6;
	s19 =	simm.s32 $0x0;
	[sflag:s10] =	ssyncset.done $0x0  }
.LBB2_2:
0x23: {  	[sflag:s10] =	ssyncadd.s32 $0xFFFFC000;
	s19 =	sadd.s32 $0x80, s19;
	s17 =	sadd.s32 $0x80, s17  }
0x24: {  	[tilespmem:s14], [sflag:$0x1] =	stream.indirect.gather [hbm4b:s1+s13], $0x80, s19, s13, $0xb8;
	[tilespmem:$0x1DC00] =	vst v63  }
0x25: {  	p0 =	sne.s32 s18, $0x1;
	s18 =	sadd.s32 $0xFFFFFFFF, s18;
	_ =	swait.ge [sflag:s10], $0x4000  }
.Ltmp1:
0x26: {  	[sflag:s10] =	ssyncset.done $0x0;
	(pc) =	sbr.rel @p0 .LBB2_2-.Ltmp1, $4  }
0x27: {  	[sflag:s10] =	ssyncadd.s32 $0xFFFFC000  }
0x28: {  	[spmem:s3] =	stream.indirect.scatter.add.f32 [tilespmem:s14], [sflag:$0x1], $0x80, s17, s13, $0xb8;
	[tilespmem:$0x1DC00] =	vst v63  }
0x29: {  	_ =	swait.ge [sflag:s10], $0x4000  }
0x2a: {  	[sflag:s10] =	ssyncset.done $0x0  }
.LBB2_3:
0x2b: {  	s16 =	sadd.s32 $0x1, s16  }
0x2c: {  	[sflag:s10] =	ssyncadd.s32 $0xFFFFC000;
	p0 =	sne.s32 s16, s9  }
.Ltmp2:
0x2d: {  	[bflag:$0x0] =	sbarrier.arrive $0xFFFF;
	(pc) =	sbr.rel @p0 .LBB2_1-.Ltmp2, $4  }
0x2e: {  	[hbm:s15], [sflag:s11] =	dma.local [spmem:s12], $0x2780  }
0x2f: {  	_ =	swait.ge [sflag:s10], $0x2780  }
0x30: {  	[sflag:s10] =	ssyncset.done $0x0  }
0x31: {  	[sflag:s10] =	ssyncadd.s32 $0xFFFFD880  }
0x32: {  	_ =	sfence.sel $0x180000  }
0x33: {  	[bflag:$0x0] =	sbarrier.arrive $0xFFFF  }
0x34: {  	p0 =	sne.s32 s0, $0x0;
	_ =	strace $0x9000004D  }
0x35: {  	s0 =	sadd.s32 @!p0 $0x100000, s2;
	[bflag:$0x2] =	sbarrier.arrive $0xFFFF  }
0x36: {  	[sflag:s0] =	ssyncadd.tile.s32 @!p0 $0x1;
	_ =	shalt  }
.Lfunc_end2:
_tile_overlayer_lowered:
.L_overlay_start_2:
0x37: {  	(tag) =	ssettag $0x2  }
0x38: {  	s0 =	rddreg [dreg:$0x0];
	s2 =	stileid.u32  }
0x39: {  	s1 =	rddreg [dreg:$0x1];
	p0 =	sne.s32 s2, $0x0  }
0x3a: {  	s3 =	rddreg [dreg:$0x2];
	[bflag:$0x3] =	sbarrier.arrive $0xFFFF;
	s2 =	simm.s32 @!p0 $0x1C01  }
0x3b: {  	[timem:s3], [sflag:s2] =	dma.local @!p0 [hbm:s0], s1  }
0x3c: {  	s0 =	simm.s32 @!p0 $0x1  }
0x3d: {  	_ =	swait.ge @!p0 [sflag:s0], s1  }
0x3e: {  	s1 =	ssub.s32 @!p0 $0x0, s1;
	[sflag:s0] =	ssyncset.done @!p0 $0x0  }
0x3f: {  	[sflag:s0] =	ssyncadd.s32 @!p0 s1  }
0x40: {  	[bflag:$0x3] =	sbarrier.arrive $0xFFFF  }
0x41: {  	_ =	shalt  }

// kernel: kernel.18.cloned.1.call-start
scs
__scs_entry_jumppad:
0x0: {  	(pc) =	sbr.rel $0x88, $3  }
0x1: {  	(tag) =	ssettag $0x0;
	lr =	simm.s32 $0x1  }
0x2: {  	[smem:$0x3F96] =	sst lr;
	_ =	strace $0xD0000000  }
0x3: {  	_ = 	snop  }
0x4: {  	_ = 	snop  }
0x5: {  	_ = 	snop  }
0x6: {  	_ = 	snop  }
0x7: {  	_ = 	snop  }
__scs_overlays_trampoline_lowered:
0x8: {  	[smem:$0x3FA5] =	sst s0  }
0x9: {  	[smem:$0x3FA6] =	sst s1  }
0xa: {  	[smem:$0x3FA7] =	sst s2  }
0xb: {  	[smem:$0x3FA8] =	sst s3  }
0xc: {  	[smem:$0x3FA9] =	sst s4  }
0xd: {  	[smem:$0x3FAA] =	sst s5  }
0xe: {  	[smem:$0x3FAB] =	sst s6  }
0xf: {  	[smem:$0x3FAC] =	sst s7  }
0x10: {  	[smem:$0x3FAD] =	sst s8  }
0x11: {  	[smem:$0x3FAE] =	sst s9;
	s0 =	simm.s32 @!p0 $0x0  }
0x12: {  	s1 =	sld [smem:$0x3F94];
	s0 =	simm.s32 @p0 $0x1  }
0x13: {  	[smem:$0x3FAF] =	sst s0;
	s0 =	simm.s32 @!p1 $0x0  }
0x14: {  	s2 =	sld [smem:$0x3F93];
	s0 =	simm.s32 @p1 $0x1  }
0x15: {  	[smem:$0x3FB0] =	sst s0;
	s0 =	simm.s32 @!p2 $0x0  }
0x16: {  	s3 =	sld [smem:$0x3FDB];
	s0 =	simm.s32 @p2 $0x1  }
0x17: {  	s4 =	simm.s32 $0x1BF5;
	[smem:$0x3FB2] =	sst s0  }
0x18: {  	s0 =	sld [smem:$0x3F95];
	_ =	swait.ge [sflag:s4], $0x0  }
0x19: {  	s7 =	sld [smem:$0x3F96]  }
0x1a: {  	s8 =	sadd.s32 $0xFFFFE003, lr  }
0x1b: {  	s9 =	sadd.s32 $0xFFFFFEF7, lr;
	s5 =	simm.s32 $0xFFFFFFFF;
	p2 =	slt.u32 s8, $0xFFFFF086  }
0x1c: {  	p1 =	slt.u32 s9, $0xF7A;
	s5 =	simm.s32 @!p2 $0x0  }
0x1d: {  	s5 =	simm.s32 @p1 $0x1;
	p0 =	seq.s32 s7, s2  }
0x1e: {  	s7 =	smul.u32 @!p0 $0xF7A, s2;
	p2 =	seq.s32 @!p0 s5, $0x0  }
0x1f: {  	s9 =	smul.u32 $0xF7A, s1;
	s8 =	simm.s32 @!p0 $0x1BF5;
	p2 =	por !p2, p0  }
0x20: {  	[sflag:s8] =	ssyncset.s32 @!p0 $0xFFFFF086;
	s6 =	sadd.s32 @!p0 s3, s7;
	s7 =	simm.s32 @!p0 $0x108  }
0x21: {  	s3 =	sadd.s32 s3, s9;
	s6 =	sadd.s32 @!p0 $0x88, s6;
	s7 =	simm.s32 @p2 $0x1082  }
0x22: {  	[simem:s7], [sflag:s8] =	dma.local @!p0 [hbm:s6], $0xF7A  }
0x23: {  	s9 =	sor.u32 $0xD0000000, s2;
	s6 =	simm.s32 $0x108;
	_ =	swait.ge @!p0 [sflag:s8], $0x0  }
0x24: {  	s3 =	sadd.s32 $0x88, s3;
	s6 =	simm.s32 @!p1 $0x1082;
	[sflag:s4] =	ssyncset.s32 $0xFFFFF086  }
0x25: {  	[simem:s6], [sflag:s4] =	dma.local [hbm:s3], $0xF7A  }
0x26: {  	[smem:$0x3F96] =	sst s1;
	(tag) =	ssettag s2;
	_ =	strace s9  }
0x27: {  	s1 =	sld [smem:$0x3FA6]  }
0x28: {  	s2 =	sld [smem:$0x3FA7]  }
0x29: {  	s4 =	sld [smem:$0x3FA9]  }
0x2a: {  	p0 =	seq.s32 s5, $0x0;
	s5 =	sld [smem:$0x3FAA]  }
0x2b: {  	s6 =	sld [smem:$0x3FAB]  }
0x2c: {  	s7 =	sld [smem:$0x3FAC]  }
0x2d: {  	s3 =	simm.s32 $0x108;
	s8 =	sld [smem:$0x3FAD]  }
0x2e: {  	s3 =	simm.s32 @!p0 $0x1082;
	s9 =	sld [smem:$0x3FAE]  }
0x2f: {  	lr =	sadd.s32 s0, s3;
	s0 =	sld [smem:$0x3FA5]  }
0x30: {  	s3 =	sld [smem:$0x3FA8]  }
0x31: {  	[smem:$0x3FB1] =	sst s10  }
0x32: {  	s10 =	sld [smem:$0x3FAF];
	_ =	sdelay $0x3  }
0x33: {  	p0 =	seq.s32 s10, $0x1;
	s10 =	sld [smem:$0x3FB1];
	_ =	sdelay $0x3  }
0x34: {  	[smem:$0x3FB1] =	sst s10  }
0x35: {  	s10 =	sld [smem:$0x3FB0];
	_ =	sdelay $0x3  }
0x36: {  	p1 =	seq.s32 s10, $0x1;
	s10 =	sld [smem:$0x3FB1];
	_ =	sdelay $0x3  }
0x37: {  	[smem:$0x3FB1] =	sst s10  }
0x38: {  	s10 =	sld [smem:$0x3FB2]  }
0x39: {  	_ = 	snop;
	(pc) =	sbr.ind lr, $3  }
0x3a: {  	_ = 	snop  }
0x3b: {  	_ = 	snop  }
0x3c: {  	p2 =	seq.s32 s10, $0x1;
	s10 =	sld [smem:$0x3FB1]  }
0x3d: {  	_ =	shalt  }
0x3e: {  	_ =	shalt  }
0x3f: {  	_ =	shalt  }
0x40: {  	_ =	shalt  }
0x41: {  	_ =	shalt  }
0x42: {  	_ =	shalt  }
0x43: {  	_ =	shalt  }
0x44: {  	_ =	shalt  }
0x45: {  	_ =	shalt  }
0x46: {  	_ =	shalt  }
0x47: {  	_ =	shalt  }
0x48: {  	_ =	shalt  }
0x49: {  	_ =	shalt  }
0x4a: {  	_ =	shalt  }
0x4b: {  	_ =	shalt  }
0x4c: {  	_ =	shalt  }
0x4d: {  	_ =	shalt  }
0x4e: {  	_ =	shalt  }
0x4f: {  	_ =	shalt  }
0x50: {  	_ =	shalt  }
0x51: {  	_ =	shalt  }
0x52: {  	_ =	shalt  }
0x53: {  	_ =	shalt  }
0x54: {  	_ =	shalt  }
0x55: {  	_ =	shalt  }
0x56: {  	_ =	shalt  }
0x57: {  	_ =	shalt  }
0x58: {  	_ =	shalt  }
0x59: {  	_ =	shalt  }
0x5a: {  	_ =	shalt  }
0x5b: {  	_ =	shalt  }
0x5c: {  	_ =	shalt  }
0x5d: {  	_ =	shalt  }
0x5e: {  	_ =	shalt  }
0x5f: {  	_ =	shalt  }
0x60: {  	_ =	shalt  }
0x61: {  	_ =	shalt  }
0x62: {  	_ =	shalt  }
0x63: {  	_ =	shalt  }
0x64: {  	_ =	shalt  }
0x65: {  	_ =	shalt  }
0x66: {  	_ =	shalt  }
0x67: {  	_ =	shalt  }
0x68: {  	_ =	shalt  }
0x69: {  	_ =	shalt  }
0x6a: {  	_ =	shalt  }
0x6b: {  	_ =	shalt  }
0x6c: {  	_ =	shalt  }
0x6d: {  	_ =	shalt  }
0x6e: {  	_ =	shalt  }
0x6f: {  	_ =	shalt  }
0x70: {  	_ =	shalt  }
0x71: {  	_ =	shalt  }
0x72: {  	_ =	shalt  }
0x73: {  	_ =	shalt  }
0x74: {  	_ =	shalt  }
0x75: {  	_ =	shalt  }
0x76: {  	_ =	shalt  }
0x77: {  	_ =	shalt  }
0x78: {  	_ =	shalt  }
0x79: {  	_ =	shalt  }
0x7a: {  	_ =	shalt  }
0x7b: {  	_ =	shalt  }
0x7c: {  	_ =	shalt  }
0x7d: {  	_ =	shalt  }
0x7e: {  	_ =	shalt  }
0x7f: {  	_ =	shalt  }
0x80: {  	_ =	shalt  }
0x81: {  	_ =	shalt  }
0x82: {  	_ =	shalt  }
0x83: {  	_ =	shalt  }
0x84: {  	_ =	shalt  }
0x85: {  	_ =	shalt  }
0x86: {  	_ =	shalt  }
0x87: {  	_ =	shalt  }
.Lfunc_end0:
.L_simem_size_0:
called_computation.3_lowered:
.L_overlay_start_0:
0x88: {  	s2 =	sld [smem:$0x3FD9]  }
0x89: {  	s3 =	sld [smem:$0x3FFE];
	_ =	sdelay $0x1  }
0x8a: {  	s1 =	srdreg.scid  }
0x8b: {  	s0 =	sand.u32 $0x1, s1  }
0x8c: {  	s17 =	sshll.u32 s0, $0xA;
	s2 =	sadd.s32 s3, s2  }
0x8d: {  	s2 =	sadd.s32 s2, s17  }
0x8e: {  	[smem:$0x3FBD] =	sst s2  }
0x8f: {  	_ = 	snop  }
0x90: {  	s2 =	sld [smem:$0x3FD0];
	(tm) =	ssettm $0x1  }
0x91: {  	s18 =	sld [smem:$0x3FFB];
	_ =	sdelay $0x3  }
0x92: {  	_ =	strace s18  }
0x93: {  	s3 =	sld [smem:$0x3FFC];
	_ =	sdelay $0x3  }
0x94: {  	_ =	strace s3  }
0x95: {  	s3 =	sld [smem:$0x3FFD];
	_ =	sdelay $0x3  }
0x96: {  	_ =	strace s3  }
0x97: {  	_ =	strace $0x8FFFFFFF  }
0x98: {  	s19 =	sld [smem:$0x3FDB];
	_ =	sdelay $0x1  }
0x99: {  	s4 =	simm.s32 $_scs_section_size  }
0x9a: {  	s5 =	simm.s32 $_size__tile_overlayer_lowered;
	s6 =	simm.s32 $_tile_overlayer_lowered  }
0x9b: {  	s22 =	simm.s32 $0x1BFF;
	s21 =	sshll.u32 s6, $0x1;
	s3 =	sadd.s32 s4, s19  }
0x9c: {  	s7 =	simm.s32 $0x0;
	s20 =	sshll.u32 s5, $0x1;
	s5 =	sadd.s32 s21, s3  }
0x9d: {  	[timem:s7], [sflag:s22] =	dma.local [hbm:s5], s20  }
0x9e: {  	_ =	swait.ge [sflag:s22], s20  }
0x9f: {  	s4 =	ssub.s32 $0x0, s20;
	[sflag:s22] =	ssyncset.done $0x0  }
0xa0: {  	[sflag:s22] =	ssyncadd.s32 s4;
	_ =	sdelay $0x1  }
0xa1: {  	s23 =	simm.s32 $0x1B8B  }
0xa2: {  	_ =	swait.ge [sflag:s23], $0x1  }
0xa3: {  	[sflag:s23] =	ssyncset.done $0x0  }
0xa4: {  	s25 =	simm.s32 $0x1B8E;
	s24 =	sld [smem:$0x3FFE];
	[sflag:s23] =	ssyncadd.s32 $0xFFFFFFFF  }
0xa5: {  	s26 =	simm.s32 $execute0_lowered;
	[smem:$0x3FD2] =	sst s25  }
0xa6: {  	s5 =	sshll.u32 s26, $0x1;
	_ =	strace $0x8000004F;
	[dreg:$0x1] =	wrdreg $0xFFFFFFFF  }
0xa7: {  	s28 =	simm.s32 $_size_execute0_lowered;
	s3 =	sadd.s32 s3, s5;
	[dreg:$0x0] =	wrdreg $0x0  }
0xa8: {  	s5 =	sshll.u32 s28, $0x1;
	[dreg:$0x2] =	wrdreg s3  }
0xa9: {  	[dreg:$0x3] =	wrdreg s5  }
0xaa: {  	[dreg:$0x4] =	wrdreg $0xC0  }
0xab: {  	_ =	task [dreg:s7], $0x5FFFF  }
0xac: {  	[dreg:$0x1] =	wrdreg $0xFFFFFFFF  }
0xad: {  	[dreg:$0x0] =	wrdreg $0x60  }
0xae: {  	[dreg:$0x2] =	wrdreg s2  }
0xaf: {  	[dreg:$0x3] =	wrdreg s24  }
0xb0: {  	[dreg:$0x4] =	wrdreg $0xA0000  }
0xb1: {  	[dreg:$0x5] =	wrdreg $0x9  }
0xb2: {  	_ =	task.clear_ibuf [dreg:s7], $0x6FFFF;
	_ =	strace $0x9000004F  }
0xb3: {  	s29 =	simm.s32 $0x9;
	_ =	strace $0x80000051  }
0xb4: {  	_ =	swait.ge [sflag:s29], $0x1  }
0xb5: {  	[sflag:s29] =	ssyncadd.s32 $0xFFFFFFFF  }
0xb6: {  	_ =	strace $0x90000051  }
0xb7: {  	_ =	sfence  }
0xb8: {  	s30 =	sld [smem:$0x0];
	_ =	sdelay $0x2  }
0xb9: {  	s31 =	sshll.u32 s1, $0xD;
	s1 =	sshrl.u32 s1, $0x2  }
0xba: {  	s3 =	sand.u32 $0x4000, s31;
	s1 =	sadd.s32 s1, s30  }
0xbb: {  	s0 =	sor.u32 s3, s0;
	s1 =	sshll.u32 s1, $0x11  }
0xbc: {  	s0 =	sor.u32 s1, s0  }
0xbd: {  	s0 =	sadd.s32 $0x8F2B, s0  }
0xbe: {  	[sflag:s0] =	ssyncadd.remote.s32 $0x1  }
0xbf: {  	_ =	sfence.sel $0xFFFF  }
0xc0: {  	[dreg:$0x0] =	wrdreg $0xFFFFFFFF;
	(pc) =	sbr.abs _section_cstart, $3  }
0xc1: {  	[dreg:$0x1] =	wrdreg $0xFFFFFFFF  }
0xc2: {  	_ =	task.clear_ibuf [dreg:s7], $0x2FFFF;
	_ =	strace $0x9FFFFFFF  }
0xc3: {  	(tm) =	ssettm $0x7FFFFFFF  }
tec
execute0_lowered:
.L_overlay_start_1:
0x0: {  	(tag) =	ssettag $0x1  }
0x1: {  	s1 =	rddreg [dreg:$0x0]  }
0x2: {  	s0 =	srdreg.scid;
	s7 =	rddreg [dreg:$0x1]  }
0x3: {  	s3 =	rddreg [dreg:$0x2];
	s4 =	simm.s32 $0x0;
	s13 =	simm.s32 $0x80  }
0x4: {  	s14 =	simm.s32 $0x6000;
	s6 =	sand.u32 $0x1, s0;
	s0 =	stileid.u32  }
0x5: {  	[smem:$0x7FF] =	sst s4;
	s2 =	sshll.u32 s6, $0x4;
	s10 =	smul.u32 $0x27800, s6  }
0x6: {  	s9 =	ssub.s32 $0x2, s6;
	p0 =	seq.s32 s6, $0x0;
	s12 =	smul.u32 $0x4F000, s0  }
0x7: {  	s6 =	simm.s32 $0x5F;
	s16 =	smul.u32 $0x2780, s0;
	s31 =	sshll.u32 s0, $0x6  }
0x8: {  	s5 =	sor.u32 s0, s2;
	s2 =	rddreg [dreg:$0x3];
	_ =	strace $0x80000050  }
0x9: {  	s11 =	sshrl.u32 s9, $0x1;
	s6 =	simm.s32 @!p0 $0x3E;
	s5 =	smul.u32 $0x600, s5  }
0xa: {  	s10 =	sadd.s32 s10, s7;
	s9 =	ssub.s32 s9, s11;
	s30 =	sshrl.u32 s12, $0x2  }
0xb: {  	s11 =	sor.u32 $0x1C01, s31;
	s12 =	sadd.s32 s30, s3;
	s15 =	sadd.s32 $0x6BA00, s10  }
0xc: {  	s9 =	smax.u32 s9, $0x1;
	s10 =	simm.s32 $0x1;
	s8 =	sadd.s32 s5, s7  }
0xd: {  	s5 =	sadd.s32 $0x1B000, s7;
	s12 =	sshrl.u32 s12, $0x3;
	s15 =	sadd.s32 s16, s15  }
0xe: {  	s16 =	simm.s32 $0x0;
	s7 =	sadd.s32 $0xF000, s8;
	s8 =	sadd.s32 $0x3000, s8  }
.LBB2_1:
0xf: {  	[tilespmem:s4], [sflag:$0x1] =	stream.linear.gather [hbm4b:s7+s4], $0x2F80, $0x38;
	[tilespmem:$0x1DC00] =	vst v63  }
0x10: {  	_ =	swait.ge [sflag:s10], $0x2F80  }
0x11: {  	[sflag:s10] =	ssyncset.done $0x0  }
0x12: {  	s17 =	simm.s32 $0x3000;
	[sflag:s10] =	ssyncadd.s32 $0xFFFFD080  }
0x13: {  	[tilespmem:s17], [sflag:$0x1] =	stream.linear.gather [hbm4b:s8+s4], $0x2F80, $0x38;
	[tilespmem:$0x1DC00] =	vst v63  }
0x14: {  	_ =	swait.ge [sflag:s10], $0x2F80  }
0x15: {  	[sflag:s10] =	ssyncset.done $0x0  }
0x16: {  	[sflag:s10] =	ssyncadd.s32 $0xFFFFD080  }
0x17: {  	[spmem:s12], [sflag:s11] =	dma.local [hbm:s5], $0x2780  }
0x18: {  	_ =	swait.ge [sflag:s10], $0x2780  }
0x19: {  	[sflag:s10] =	ssyncset.done $0x0  }
0x1a: {  	[sflag:s10] =	ssyncadd.s32 $0xFFFFD880  }
0x1b: {  	[bflag:$0x0] =	sbarrier.arrive $0xFFFF  }
0x1c: {  	[tilespmem:s14], [sflag:$0x1] =	stream.indirect.gather [hbm4b:s1+s13], $0x80, s4, s13, $0xb8;
	[tilespmem:$0x1DC00] =	vst v63  }
0x1d: {  	p0 =	sne.s32 s6, $0x1;
	_ =	swait.ge [sflag:s10], $0x4000  }
.Ltmp0:
0x1e: {  	[sflag:s10] =	ssyncset.done $0x0;
	(pc) =	sbr.rel @!p0 .LBB2_3-.Ltmp0, $4  }
0x1f: {  	[sflag:s10] =	ssyncadd.s32 $0xFFFFC000  }
0x20: {  	[spmem:s3] =	stream.indirect.scatter.add.f32 [tilespmem:s14], [sflag:$0x1], $0x80, s17, s13, $0xb8;
	[tilespmem:$0x1DC00] =	vst v63  }
0x21: {  	_ =	swait.ge [sflag:s10], $0x4000  }
0x22: {  	s18 =	sadd.s32 $0xFFFFFFFF, s6;
	s19 =	simm.s32 $0x0;
	[sflag:s10] =	ssyncset.done $0x0  }
.LBB2_2:
0x23: {  	[sflag:s10] =	ssyncadd.s32 $0xFFFFC000;
	s19 =	sadd.s32 $0x80, s19;
	s17 =	sadd.s32 $0x80, s17  }
0x24: {  	[tilespmem:s14], [sflag:$0x1] =	stream.indirect.gather [hbm4b:s1+s13], $0x80, s19, s13, $0xb8;
	[tilespmem:$0x1DC00] =	vst v63  }
0x25: {  	p0 =	sne.s32 s18, $0x1;
	s18 =	sadd.s32 $0xFFFFFFFF, s18;
	_ =	swait.ge [sflag:s10], $0x4000  }
.Ltmp1:
0x26: {  	[sflag:s10] =	ssyncset.done $0x0;
	(pc) =	sbr.rel @p0 .LBB2_2-.Ltmp1, $4  }
0x27: {  	[sflag:s10] =	ssyncadd.s32 $0xFFFFC000  }
0x28: {  	[spmem:s3] =	stream.indirect.scatter.add.f32 [tilespmem:s14], [sflag:$0x1], $0x80, s17, s13, $0xb8;
	[tilespmem:$0x1DC00] =	vst v63  }
0x29: {  	_ =	swait.ge [sflag:s10], $0x4000  }
0x2a: {  	[sflag:s10] =	ssyncset.done $0x0  }
.LBB2_3:
0x2b: {  	s16 =	sadd.s32 $0x1, s16  }
0x2c: {  	[sflag:s10] =	ssyncadd.s32 $0xFFFFC000;
	p0 =	sne.s32 s16, s9  }
.Ltmp2:
0x2d: {  	[bflag:$0x0] =	sbarrier.arrive $0xFFFF;
	(pc) =	sbr.rel @p0 .LBB2_1-.Ltmp2, $4  }
0x2e: {  	[hbm:s15], [sflag:s11] =	dma.local [spmem:s12], $0x2780  }
0x2f: {  	_ =	swait.ge [sflag:s10], $0x2780  }
0x30: {  	[sflag:s10] =	ssyncset.done $0x0  }
0x31: {  	[sflag:s10] =	ssyncadd.s32 $0xFFFFD880  }
0x32: {  	_ =	sfence.sel $0x180000  }
0x33: {  	[bflag:$0x0] =	sbarrier.arrive $0xFFFF  }
0x34: {  	p0 =	sne.s32 s0, $0x0;
	_ =	strace $0x90000050  }
0x35: {  	s0 =	sadd.s32 @!p0 $0x100000, s2;
	[bflag:$0x2] =	sbarrier.arrive $0xFFFF  }
0x36: {  	[sflag:s0] =	ssyncadd.tile.s32 @!p0 $0x1;
	_ =	shalt  }
.Lfunc_end2:
_tile_overlayer_lowered:
.L_overlay_start_2:
0x37: {  	(tag) =	ssettag $0x2  }
0x38: {  	s0 =	rddreg [dreg:$0x0];
	s2 =	stileid.u32  }
0x39: {  	s1 =	rddreg [dreg:$0x1];
	p0 =	sne.s32 s2, $0x0  }
0x3a: {  	s3 =	rddreg [dreg:$0x2];
	[bflag:$0x3] =	sbarrier.arrive $0xFFFF;
	s2 =	simm.s32 @!p0 $0x1C01  }
0x3b: {  	[timem:s3], [sflag:s2] =	dma.local @!p0 [hbm:s0], s1  }
0x3c: {  	s0 =	simm.s32 @!p0 $0x1  }
0x3d: {  	_ =	swait.ge @!p0 [sflag:s0], s1  }
0x3e: {  	s1 =	ssub.s32 @!p0 $0x0, s1;
	[sflag:s0] =	ssyncset.done @!p0 $0x0  }
0x3f: {  	[sflag:s0] =	ssyncadd.s32 @!p0 s1  }
0x40: {  	[bflag:$0x3] =	sbarrier.arrive $0xFFFF  }
0x41: {  	_ =	shalt  }

// kernel: kernel.9.cloned.1.call-start
scs
__scs_entry_jumppad:
0x0: {  	(pc) =	sbr.rel $0x88, $3  }
0x1: {  	(tag) =	ssettag $0x0;
	lr =	simm.s32 $0x1  }
0x2: {  	[smem:$0x3F96] =	sst lr;
	_ =	strace $0xD0000000  }
0x3: {  	_ = 	snop  }
0x4: {  	_ = 	snop  }
0x5: {  	_ = 	snop  }
0x6: {  	_ = 	snop  }
0x7: {  	_ = 	snop  }
__scs_overlays_trampoline_lowered:
0x8: {  	[smem:$0x3FA5] =	sst s0  }
0x9: {  	[smem:$0x3FA6] =	sst s1  }
0xa: {  	[smem:$0x3FA7] =	sst s2  }
0xb: {  	[smem:$0x3FA8] =	sst s3  }
0xc: {  	[smem:$0x3FA9] =	sst s4  }
0xd: {  	[smem:$0x3FAA] =	sst s5  }
0xe: {  	[smem:$0x3FAB] =	sst s6  }
0xf: {  	[smem:$0x3FAC] =	sst s7  }
0x10: {  	[smem:$0x3FAD] =	sst s8  }
0x11: {  	[smem:$0x3FAE] =	sst s9;
	s0 =	simm.s32 @!p0 $0x0  }
0x12: {  	s1 =	sld [smem:$0x3F94];
	s0 =	simm.s32 @p0 $0x1  }
0x13: {  	[smem:$0x3FAF] =	sst s0;
	s0 =	simm.s32 @!p1 $0x0  }
0x14: {  	s2 =	sld [smem:$0x3F93];
	s0 =	simm.s32 @p1 $0x1  }
0x15: {  	[smem:$0x3FB0] =	sst s0;
	s0 =	simm.s32 @!p2 $0x0  }
0x16: {  	s3 =	sld [smem:$0x3FDB];
	s0 =	simm.s32 @p2 $0x1  }
0x17: {  	s4 =	simm.s32 $0x1BF5;
	[smem:$0x3FB2] =	sst s0  }
0x18: {  	s0 =	sld [smem:$0x3F95];
	_ =	swait.ge [sflag:s4], $0x0  }
0x19: {  	s7 =	sld [smem:$0x3F96]  }
0x1a: {  	s8 =	sadd.s32 $0xFFFFE003, lr  }
0x1b: {  	s9 =	sadd.s32 $0xFFFFFEF7, lr;
	s5 =	simm.s32 $0xFFFFFFFF;
	p2 =	slt.u32 s8, $0xFFFFF086  }
0x1c: {  	p1 =	slt.u32 s9, $0xF7A;
	s5 =	simm.s32 @!p2 $0x0  }
0x1d: {  	s5 =	simm.s32 @p1 $0x1;
	p0 =	seq.s32 s7, s2  }
0x1e: {  	s7 =	smul.u32 @!p0 $0xF7A, s2;
	p2 =	seq.s32 @!p0 s5, $0x0  }
0x1f: {  	s9 =	smul.u32 $0xF7A, s1;
	s8 =	simm.s32 @!p0 $0x1BF5;
	p2 =	por !p2, p0  }
0x20: {  	[sflag:s8] =	ssyncset.s32 @!p0 $0xFFFFF086;
	s6 =	sadd.s32 @!p0 s3, s7;
	s7 =	simm.s32 @!p0 $0x108  }
0x21: {  	s3 =	sadd.s32 s3, s9;
	s6 =	sadd.s32 @!p0 $0x88, s6;
	s7 =	simm.s32 @p2 $0x1082  }
0x22: {  	[simem:s7], [sflag:s8] =	dma.local @!p0 [hbm:s6], $0xF7A  }
0x23: {  	s9 =	sor.u32 $0xD0000000, s2;
	s6 =	simm.s32 $0x108;
	_ =	swait.ge @!p0 [sflag:s8], $0x0  }
0x24: {  	s3 =	sadd.s32 $0x88, s3;
	s6 =	simm.s32 @!p1 $0x1082;
	[sflag:s4] =	ssyncset.s32 $0xFFFFF086  }
0x25: {  	[simem:s6], [sflag:s4] =	dma.local [hbm:s3], $0xF7A  }
0x26: {  	[smem:$0x3F96] =	sst s1;
	(tag) =	ssettag s2;
	_ =	strace s9  }
0x27: {  	s1 =	sld [smem:$0x3FA6]  }
0x28: {  	s2 =	sld [smem:$0x3FA7]  }
0x29: {  	s4 =	sld [smem:$0x3FA9]  }
0x2a: {  	p0 =	seq.s32 s5, $0x0;
	s5 =	sld [smem:$0x3FAA]  }
0x2b: {  	s6 =	sld [smem:$0x3FAB]  }
0x2c: {  	s7 =	sld [smem:$0x3FAC]  }
0x2d: {  	s3 =	simm.s32 $0x108;
	s8 =	sld [smem:$0x3FAD]  }
0x2e: {  	s3 =	simm.s32 @!p0 $0x1082;
	s9 =	sld [smem:$0x3FAE]  }
0x2f: {  	lr =	sadd.s32 s0, s3;
	s0 =	sld [smem:$0x3FA5]  }
0x30: {  	s3 =	sld [smem:$0x3FA8]  }
0x31: {  	[smem:$0x3FB1] =	sst s10  }
0x32: {  	s10 =	sld [smem:$0x3FAF];
	_ =	sdelay $0x3  }
0x33: {  	p0 =	seq.s32 s10, $0x1;
	s10 =	sld [smem:$0x3FB1];
	_ =	sdelay $0x3  }
0x34: {  	[smem:$0x3FB1] =	sst s10  }
0x35: {  	s10 =	sld [smem:$0x3FB0];
	_ =	sdelay $0x3  }
0x36: {  	p1 =	seq.s32 s10, $0x1;
	s10 =	sld [smem:$0x3FB1];
	_ =	sdelay $0x3  }
0x37: {  	[smem:$0x3FB1] =	sst s10  }
0x38: {  	s10 =	sld [smem:$0x3FB2]  }
0x39: {  	_ = 	snop;
	(pc) =	sbr.ind lr, $3  }
0x3a: {  	_ = 	snop  }
0x3b: {  	_ = 	snop  }
0x3c: {  	p2 =	seq.s32 s10, $0x1;
	s10 =	sld [smem:$0x3FB1]  }
0x3d: {  	_ =	shalt  }
0x3e: {  	_ =	shalt  }
0x3f: {  	_ =	shalt  }
0x40: {  	_ =	shalt  }
0x41: {  	_ =	shalt  }
0x42: {  	_ =	shalt  }
0x43: {  	_ =	shalt  }
0x44: {  	_ =	shalt  }
0x45: {  	_ =	shalt  }
0x46: {  	_ =	shalt  }
0x47: {  	_ =	shalt  }
0x48: {  	_ =	shalt  }
0x49: {  	_ =	shalt  }
0x4a: {  	_ =	shalt  }
0x4b: {  	_ =	shalt  }
0x4c: {  	_ =	shalt  }
0x4d: {  	_ =	shalt  }
0x4e: {  	_ =	shalt  }
0x4f: {  	_ =	shalt  }
0x50: {  	_ =	shalt  }
0x51: {  	_ =	shalt  }
0x52: {  	_ =	shalt  }
0x53: {  	_ =	shalt  }
0x54: {  	_ =	shalt  }
0x55: {  	_ =	shalt  }
0x56: {  	_ =	shalt  }
0x57: {  	_ =	shalt  }
0x58: {  	_ =	shalt  }
0x59: {  	_ =	shalt  }
0x5a: {  	_ =	shalt  }
0x5b: {  	_ =	shalt  }
0x5c: {  	_ =	shalt  }
0x5d: {  	_ =	shalt  }
0x5e: {  	_ =	shalt  }
0x5f: {  	_ =	shalt  }
0x60: {  	_ =	shalt  }
0x61: {  	_ =	shalt  }
0x62: {  	_ =	shalt  }
0x63: {  	_ =	shalt  }
0x64: {  	_ =	shalt  }
0x65: {  	_ =	shalt  }
0x66: {  	_ =	shalt  }
0x67: {  	_ =	shalt  }
0x68: {  	_ =	shalt  }
0x69: {  	_ =	shalt  }
0x6a: {  	_ =	shalt  }
0x6b: {  	_ =	shalt  }
0x6c: {  	_ =	shalt  }
0x6d: {  	_ =	shalt  }
0x6e: {  	_ =	shalt  }
0x6f: {  	_ =	shalt  }
0x70: {  	_ =	shalt  }
0x71: {  	_ =	shalt  }
0x72: {  	_ =	shalt  }
0x73: {  	_ =	shalt  }
0x74: {  	_ =	shalt  }
0x75: {  	_ =	shalt  }
0x76: {  	_ =	shalt  }
0x77: {  	_ =	shalt  }
0x78: {  	_ =	shalt  }
0x79: {  	_ =	shalt  }
0x7a: {  	_ =	shalt  }
0x7b: {  	_ =	shalt  }
0x7c: {  	_ =	shalt  }
0x7d: {  	_ =	shalt  }
0x7e: {  	_ =	shalt  }
0x7f: {  	_ =	shalt  }
0x80: {  	_ =	shalt  }
0x81: {  	_ =	shalt  }
0x82: {  	_ =	shalt  }
0x83: {  	_ =	shalt  }
0x84: {  	_ =	shalt  }
0x85: {  	_ =	shalt  }
0x86: {  	_ =	shalt  }
0x87: {  	_ =	shalt  }
.Lfunc_end0:
.L_simem_size_0:
called_computation_lowered:
.L_overlay_start_0:
0x88: {  	s2 =	sld [smem:$0x3FD9]  }
0x89: {  	s3 =	sld [smem:$0x3FFE];
	_ =	sdelay $0x1  }
0x8a: {  	s1 =	srdreg.scid  }
0x8b: {  	s0 =	sand.u32 $0x1, s1  }
0x8c: {  	s17 =	sshll.u32 s0, $0xA;
	s2 =	sadd.s32 s3, s2  }
0x8d: {  	s2 =	sadd.s32 s2, s17  }
0x8e: {  	[smem:$0x3FBD] =	sst s2  }
0x8f: {  	_ = 	snop  }
0x90: {  	s18 =	sld [smem:$0x3FD0];
	(tm) =	ssettm $0x1  }
0x91: {  	s19 =	sld [smem:$0x3FFB];
	_ =	sdelay $0x3  }
0x92: {  	_ =	strace s19  }
0x93: {  	s2 =	sld [smem:$0x3FFC];
	_ =	sdelay $0x3  }
0x94: {  	_ =	strace s2  }
0x95: {  	s2 =	sld [smem:$0x3FFD];
	_ =	sdelay $0x3  }
0x96: {  	_ =	strace s2  }
0x97: {  	_ =	strace $0x8FFFFFFF  }
0x98: {  	s20 =	sld [smem:$0x3FDB];
	_ =	sdelay $0x1  }
0x99: {  	s4 =	simm.s32 $_scs_section_size  }
0x9a: {  	s5 =	simm.s32 $_size__tile_overlayer_lowered;
	s6 =	simm.s32 $_tile_overlayer_lowered  }
0x9b: {  	s7 =	simm.s32 $0x1BFF;
	s21 =	sshll.u32 s6, $0x1;
	s4 =	sadd.s32 s4, s20  }
0x9c: {  	s22 =	simm.s32 $0x0;
	s5 =	sshll.u32 s5, $0x1;
	s6 =	sadd.s32 s21, s4  }
0x9d: {  	[timem:s22], [sflag:s7] =	dma.local [hbm:s6], s5  }
0x9e: {  	_ =	swait.ge [sflag:s7], s5  }
0x9f: {  	s5 =	ssub.s32 $0x0, s5;
	[sflag:s7] =	ssyncset.done $0x0  }
0xa0: {  	[sflag:s7] =	ssyncadd.s32 s5;
	_ =	sdelay $0x1  }
0xa1: {  	s23 =	simm.s32 $0x1B8B  }
0xa2: {  	_ =	swait.ge [sflag:s23], $0x1  }
0xa3: {  	[sflag:s23] =	ssyncset.done $0x0  }
0xa4: {  	[sflag:s23] =	ssyncadd.s32 $0xFFFFFFFF  }
0xa5: {  	s5 =	sld [smem:$0x0]  }
0xa6: {  	s6 =	sand.u32 $0xFFFFFFFE, s1  }
0xa7: {  	p0 =	sne.s32 s1, s6  }
0xa8: {  	s6 =	sshll.u32 @p0 s6, $0xE  }
0xa9: {  	s6 =	sadd.s32 @p0 $0x11B8D, s6;
	s7 =	sshll.u32 @p0 s5, $0x11  }
0xaa: {  	s6 =	sor.u32 @p0 s7, s6  }
0xab: {  	[sflag:s6] =	ssyncadd.remote.s32 @p0 $0x1;
	_ =	sdelay $0x1  }
0xac: {  	s6 =	simm.s32 @p0 $0x1B8D  }
0xad: {  	_ =	swait.eq @p0 [sflag:s6], $0x1  }
0xae: {  	[sflag:s6] =	ssyncadd.s32 @p0 $0xFFFFFFFF  }
0xaf: {  	s7 =	sshll.u32 @!p0 s1, $0xE  }
0xb0: {  	s7 =	sor.u32 @!p0 $0x4000, s7;
	s6 =	simm.s32 @!p0 $0x1B8D  }
0xb1: {  	s5 =	sshll.u32 @!p0 s5, $0x11;
	s7 =	sadd.s32 @!p0 $0x11B8D, s7;
	_ =	swait.eq @!p0 [sflag:s6], $0x1  }
0xb2: {  	s5 =	sor.u32 @!p0 s5, s7;
	[sflag:s6] =	ssyncadd.s32 @!p0 $0xFFFFFFFF  }
0xb3: {  	s25 =	simm.s32 $0x1B8E;
	s24 =	sld [smem:$0x3FFE];
	[sflag:s5] =	ssyncadd.remote.s32 @!p0 $0x1  }
0xb4: {  	s26 =	simm.s32 $execute0_lowered;
	[smem:$0x3FD2] =	sst s25  }
0xb5: {  	s6 =	sshll.u32 s26, $0x1;
	_ =	strace $0x80000049;
	[dreg:$0x1] =	wrdreg $0xFFFFFFFF  }
0xb6: {  	s28 =	simm.s32 $_size_execute0_lowered;
	s4 =	sadd.s32 s4, s6;
	[dreg:$0x0] =	wrdreg $0x0  }
0xb7: {  	s6 =	sshll.u32 s28, $0x1;
	[dreg:$0x2] =	wrdreg s4  }
0xb8: {  	[dreg:$0x3] =	wrdreg s6  }
0xb9: {  	[dreg:$0x4] =	wrdreg $0xC0  }
0xba: {  	_ =	task [dreg:s22], $0x5FFFF  }
0xbb: {  	[dreg:$0x1] =	wrdreg $0xFFFFFFFF  }
0xbc: {  	[dreg:$0x0] =	wrdreg $0x60  }
0xbd: {  	[dreg:$0x2] =	wrdreg s24  }
0xbe: {  	[dreg:$0x3] =	wrdreg s18  }
0xbf: {  	[dreg:$0x4] =	wrdreg $0x70000  }
0xc0: {  	[dreg:$0x5] =	wrdreg $0x9  }
0xc1: {  	_ =	task.clear_ibuf [dreg:s22], $0x6FFFF;
	_ =	strace $0x90000049  }
0xc2: {  	s29 =	simm.s32 $0x9;
	_ =	strace $0x8000004B  }
0xc3: {  	_ =	swait.ge [sflag:s29], $0x1  }
0xc4: {  	[sflag:s29] =	ssyncadd.s32 $0xFFFFFFFF  }
0xc5: {  	_ =	strace $0x9000004B  }
0xc6: {  	_ =	sfence  }
0xc7: {  	s30 =	sld [smem:$0x0];
	_ =	sdelay $0x2  }
0xc8: {  	s31 =	sshll.u32 s1, $0xD;
	s1 =	sshrl.u32 s1, $0x2  }
0xc9: {  	s4 =	sand.u32 $0x4000, s31;
	s1 =	sadd.s32 s1, s30  }
0xca: {  	s0 =	sor.u32 s4, s0;
	s1 =	sshll.u32 s1, $0x11  }
0xcb: {  	s0 =	sor.u32 s1, s0  }
0xcc: {  	s0 =	sadd.s32 $0x8F2B, s0  }
0xcd: {  	[sflag:s0] =	ssyncadd.remote.s32 $0x1  }
0xce: {  	_ =	sfence.sel $0xFFFF  }
0xcf: {  	[dreg:$0x0] =	wrdreg $0xFFFFFFFF;
	(pc) =	sbr.abs _section_cstart, $3  }
0xd0: {  	[dreg:$0x1] =	wrdreg $0xFFFFFFFF  }
0xd1: {  	_ =	task.clear_ibuf [dreg:s22], $0x2FFFF;
	_ =	strace $0x9FFFFFFF  }
0xd2: {  	(tm) =	ssettm $0x7FFFFFFF  }
0xd3: {  	_ =	shalt  }
tec
execute0_lowered:
.L_overlay_start_1:
0x0: {  	(tag) =	ssettag $0x1  }
0x1: {  	s6 =	rddreg [dreg:$0x0]  }
0x2: {  	s0 =	srdreg.scid;
	s2 =	rddreg [dreg:$0x1]  }
0x3: {  	s3 =	rddreg [dreg:$0x2];
	s1 =	stileid.u32  }
0x4: {  	s4 =	simm.s32 $0x0;
	s7 =	sand.u32 $0x1, s0;
	s0 =	rddreg [dreg:$0x3]  }
0x5: {  	s13 =	simm.s32 $0x80;
	[smem:$0x7FF] =	sst s4;
	s11 =	smul.u32 $0x4F000, s1  }
0x6: {  	s15 =	smul.u32 $0x2780, s1;
	s31 =	sshll.u32 s1, $0x6;
	s5 =	sshll.u32 s7, $0x4  }
0x7: {  	_ =	strace $0x8000004A;
	s8 =	smul.u32 $0x27800, s7;
	s10 =	ssub.s32 $0x2, s7  }
0x8: {  	p0 =	seq.s32 s7, $0x0;
	s5 =	sor.u32 s1, s5;
	s29 =	sshrl.u32 s10, $0x1  }
0x9: {  	s30 =	sshrl.u32 s11, $0x2;
	s11 =	sor.u32 $0x1C01, s31;
	s5 =	smul.u32 $0x600, s5  }
0xa: {  	s8 =	sadd.s32 s8, s6;
	s10 =	ssub.s32 s10, s29;
	s12 =	sadd.s32 s30, s3  }
0xb: {  	s14 =	sadd.s32 $0x6C800, s8;
	s8 =	smax.u32 s10, $0x1;
	s10 =	simm.s32 $0x3000  }
0xc: {  	s12 =	sshrl.u32 s12, $0x3;
	s9 =	sadd.s32 s5, s6;
	s5 =	sadd.s32 $0x1B000, s6  }
0xd: {  	s6 =	simm.s32 $0x5F;
	s14 =	sadd.s32 s15, s14;
	s15 =	simm.s32 $0x0  }
0xe: {  	s6 =	simm.s32 @!p0 $0x3E;
	s7 =	sadd.s32 $0x3000, s9;
	s9 =	simm.s32 $0x1  }
.LBB2_1:
0xf: {  	[tilespmem:s4], [sflag:$0x1] =	stream.linear.gather [hbm4b:s7+s4], $0x2F80, $0x38;
	[tilespmem:$0x1AC00] =	vst v63  }
0x10: {  	_ =	swait.ge [sflag:s9], $0x2F80  }
0x11: {  	[sflag:s9] =	ssyncset.done $0x0  }
0x12: {  	[sflag:s9] =	ssyncadd.s32 $0xFFFFD080  }
0x13: {  	[tilespmem:s10], [sflag:$0x1] =	stream.linear.gather [hbm4b:s2+s4], $0x4000, $0x38;
	[tilespmem:$0x1AC00] =	vst v63  }
0x14: {  	_ =	swait.ge [sflag:s9], $0x4000  }
0x15: {  	[sflag:s9] =	ssyncset.done $0x0  }
0x16: {  	[sflag:s9] =	ssyncadd.s32 $0xFFFFC000  }
0x17: {  	[spmem:s12], [sflag:s11] =	dma.local [hbm:s5], $0x2780  }
0x18: {  	_ =	swait.ge [sflag:s9], $0x2780  }
0x19: {  	p0 =	sne.s32 s6, $0x1;
	[sflag:s9] =	ssyncset.done $0x0  }
.Ltmp0:
0x1a: {  	[sflag:s9] =	ssyncadd.s32 $0xFFFFD880;
	(pc) =	sbr.rel @!p0 .LBB2_3-.Ltmp0, $4  }
0x1b: {  	[bflag:$0x0] =	sbarrier.arrive $0xFFFF  }
0x1c: {  	[spmem:s3] =	stream.indirect.scatter.add.f32 [tilespmem:s10], [sflag:$0x1], $0x80, s4, s13, $0xb8;
	[tilespmem:$0x1AC00] =	vst v63  }
0x1d: {  	_ =	swait.ge [sflag:s9], $0x4000  }
0x1e: {  	s16 =	sadd.s32 $0xFFFFFFFF, s6;
	s17 =	simm.s32 $0x0;
	[sflag:s9] =	ssyncset.done $0x0  }
.LBB2_2:
0x1f: {  	p0 =	sne.s32 s16, $0x1;
	[sflag:s9] =	ssyncadd.s32 $0xFFFFC000;
	s17 =	sadd.s32 $0x80, s17  }
.Ltmp1:
0x20: {  	s16 =	sadd.s32 $0xFFFFFFFF, s16;
	(pc) =	sbr.rel @p0 .LBB2_2-.Ltmp1, $4  }
0x21: {  	_ = 	snop  }
0x22: {  	[spmem:s3] =	stream.indirect.scatter.add.f32 [tilespmem:s10], [sflag:$0x1], $0x80, s17, s13, $0xb8;
	[tilespmem:$0x1AC00] =	vst v63  }
0x23: {  	_ =	swait.ge [sflag:s9], $0x4000  }
0x24: {  	[sflag:s9] =	ssyncset.done $0x0  }
.LBB2_3:
0x25: {  	s15 =	sadd.s32 $0x1, s15  }
0x26: {  	[sflag:s9] =	ssyncadd.s32 $0xFFFFC000;
	p0 =	sne.s32 s15, s8  }
.Ltmp2:
0x27: {  	[bflag:$0x0] =	sbarrier.arrive $0xFFFF;
	(pc) =	sbr.rel @p0 .LBB2_1-.Ltmp2, $4  }
0x28: {  	[hbm:s14], [sflag:s11] =	dma.local [spmem:s12], $0x2780  }
0x29: {  	_ =	swait.ge [sflag:s9], $0x2780  }
0x2a: {  	[sflag:s9] =	ssyncset.done $0x0  }
0x2b: {  	[sflag:s9] =	ssyncadd.s32 $0xFFFFD880  }
0x2c: {  	_ =	sfence.sel $0x180000  }
0x2d: {  	[bflag:$0x0] =	sbarrier.arrive $0xFFFF  }
0x2e: {  	p0 =	sne.s32 s1, $0x0;
	_ =	strace $0x9000004A  }
0x2f: {  	s0 =	sadd.s32 @!p0 $0x100000, s0;
	[bflag:$0x2] =	sbarrier.arrive $0xFFFF  }
0x30: {  	[sflag:s0] =	ssyncadd.tile.s32 @!p0 $0x1;
	_ =	shalt  }
.Lfunc_end2:
_tile_overlayer_lowered:
.L_overlay_start_2:
0x31: {  	(tag) =	ssettag $0x2  }
0x32: {  	s0 =	rddreg [dreg:$0x0];
	s2 =	stileid.u32  }
0x33: {  	s1 =	rddreg [dreg:$0x1];
	p0 =	sne.s32 s2, $0x0  }
0x34: {  	s3 =	rddreg [dreg:$0x2];
	[bflag:$0x3] =	sbarrier.arrive $0xFFFF;
	s2 =	simm.s32 @!p0 $0x1C01  }
0x35: {  	[timem:s3], [sflag:s2] =	dma.local @!p0 [hbm:s0], s1  }
0x36: {  	s0 =	simm.s32 @!p0 $0x1  }
0x37: {  	_ =	swait.ge @!p0 [sflag:s0], s1  }
0x38: {  	s1 =	ssub.s32 @!p0 $0x0, s1;
	[sflag:s0] =	ssyncset.done @!p0 $0x0  }
0x39: {  	[sflag:s0] =	ssyncadd.s32 @!p0 s1  }
0x3a: {  	[bflag:$0x3] =	sbarrier.arrive $0xFFFF  }
0x3b: {  	_ =	shalt  }

</sc_bundles>
